<compile_context>
chip_gen: v7x
topology: tpu7x:2x2x1
jax: 0.10.2.dev20260603
libtpu: 0.0.44.dev20260713+nightly
codegen_flags: <defaults>
</compile_context>

<pallas_src>
import functools

import jax
import jax.numpy as jnp
from jax import lax
from jax.experimental import pallas as pl
from jax.experimental.pallas import tpu as pltpu
from jax.experimental.pallas import tpu_sc as plsc

B = 4
NV = 32768
N = NV // B
NPOINT = N // 4
DIM = 128
OUT_DIM = 256
ROWS = N // 128


def _fps_body(x_ref, y_ref, z_ref, idx_ref, pk_ref):
    x = x_ref[...]
    y = y_ref[...]
    z = z_ref[...]
    shp = (B, ROWS, 128)
    lin = (lax.broadcasted_iota(jnp.int32, shp, 1) * 128
           + lax.broadcasted_iota(jnp.int32, shp, 2))
    revl = (N - 1) - lin
    pk = (x * x + y * y + z * z) * N + revl
    xyzpk = x * 16384 + y * 128 + z

    def body(i, carry):
        kmin, m = carry
        sel = kmin == m
        cpk = jnp.max(jnp.where(sel, xyzpk, 0), axis=(1, 2), keepdims=True)
        far = (N - 1) - (m & (N - 1))
        idx_ref[pl.ds(i, 1), :] = jnp.concatenate(
            [far[b] for b in range(B)], axis=1)
        pk_ref[pl.ds(i, 1), :] = jnp.concatenate(
            [cpk[b] for b in range(B)], axis=1)
        cx = cpk >> 14
        cy = (cpk >> 7) & 127
        cz = cpk & 127
        cn2 = cx * cx + cy * cy + cz * cz
        dot = x * cx + y * cy + z * cz
        key = (pk + cn2 * N) - dot * (2 * N)
        k2 = jnp.minimum(kmin, key)
        m2 = jnp.max(k2, axis=(1, 2), keepdims=True)
        return k2, m2

    def body16(j, carry):
        for u in range(16):
            carry = body(j * 16 + u, carry)
        return carry

    init = ((2 ** 30) + revl,
            jnp.full((B, 1, 1), (2 ** 30) + (N - 1), jnp.int32))
    lax.fori_loop(0, NPOINT // 16, body16, init)


def _run_fps(xi, yi, zi):
    out_shapes = (
        jax.ShapeDtypeStruct((NPOINT, B), jnp.int32),
        jax.ShapeDtypeStruct((NPOINT, B), jnp.int32),
    )
    return pl.pallas_call(
        _fps_body,
        out_shape=out_shapes,
        in_specs=[pl.BlockSpec(memory_space=pltpu.VMEM)] * 3,
        out_specs=tuple(pl.BlockSpec(memory_space=pltpu.VMEM)
                        for _ in range(2)),
    )(xi, yi, zi)


_SC_CHUNK = NPOINT // 8


def _sc_gather_body(feats_hbm, gidx_hbm, out_hbm, idx_v, rows_v, sem):
    w = lax.axis_index("s") * 2 + lax.axis_index("c")
    base = w * _SC_CHUNK
    for j in range(_SC_CHUNK // 128):
        pltpu.sync_copy(gidx_hbm.at[pl.ds(base + j * 128, 128)], idx_v.at[j])
    cps = [
        pltpu.async_copy(feats_hbm.at[idx_v.at[j]],
                         rows_v.at[pl.ds(j * 128, 128)], sem)
        for j in range(_SC_CHUNK // 128)
    ]
    for cp in cps:
        cp.wait()
    pltpu.sync_copy(rows_v, out_hbm.at[pl.ds(base, _SC_CHUNK)])


def _run_sc_gather(feats, gidx):
    mesh = plsc.VectorSubcoreMesh(core_axis_name="c", subcore_axis_name="s")
    kern = functools.partial(
        pl.kernel,
        out_type=jax.ShapeDtypeStruct((B * NPOINT, DIM), jnp.float32),
        mesh=mesh,
        scratch_types=[
            pltpu.VMEM((_SC_CHUNK // 128, 128), jnp.int32),
            pltpu.VMEM((_SC_CHUNK, DIM), jnp.float32),
            pltpu.SemaphoreType.DMA,
        ],
    )(_sc_gather_body)
    return kern(feats, gidx)


def _linear_body(pts_ref, cx_ref, cy_ref, cz_ref, aux_ref, wf_ref,
                 xyz_out_ref, out_ref):
    p = pl.program_id(0)
    cx = cx_ref[:]
    cy = cy_ref[:]
    cz = cz_ref[:]
    total = jnp.sum(cx) + jnp.sum(cy) + jnp.sum(cz)
    mean = total / float(3 * B * NPOINT)
    lanes = lax.broadcasted_iota(jnp.int32, (NPOINT, B), 1)
    sel = lanes == p
    xs = jnp.sum(jnp.where(sel, cx, 0.0), axis=1, keepdims=True)
    ys = jnp.sum(jnp.where(sel, cy, 0.0), axis=1, keepdims=True)
    zs = jnp.sum(jnp.where(sel, cz, 0.0), axis=1, keepdims=True)
    bf = jnp.full((NPOINT, 1), 1.0, jnp.float32) * p.astype(jnp.float32)
    xyz_out_ref[:] = jnp.concatenate([bf, xs, ys, zs], axis=1)
    acc = jnp.dot(pts_ref[:], wf_ref[:], preferred_element_type=jnp.float32)
    acc = acc + (xs / mean) * aux_ref[0:1, :]
    acc = acc + (ys / mean) * aux_ref[1:2, :]
    acc = acc + (zs / mean) * aux_ref[2:3, :]
    acc = acc + aux_ref[3:4, :]
    out_ref[:] = jnp.maximum(acc, 0.0)


def _run_linear(pts, cx, cy, cz, aux, wf):
    full = lambda i: (0, 0)
    blocked = lambda i: (i, 0)
    return pl.pallas_call(
        _linear_body,
        grid=(B,),
        in_specs=[
            pl.BlockSpec((NPOINT, DIM), blocked),
            pl.BlockSpec((NPOINT, B), full),
            pl.BlockSpec((NPOINT, B), full),
            pl.BlockSpec((NPOINT, B), full),
            pl.BlockSpec((8, OUT_DIM), full),
            pl.BlockSpec((DIM, OUT_DIM), full),
        ],
        out_specs=(
            pl.BlockSpec((NPOINT, 4), blocked),
            pl.BlockSpec((NPOINT, OUT_DIM), blocked),
        ),
        out_shape=(
            jax.ShapeDtypeStruct((B * NPOINT, 4), jnp.float32),
            jax.ShapeDtypeStruct((B * NPOINT, OUT_DIM), jnp.float32),
        ),
        compiler_params=pltpu.CompilerParams(
            dimension_semantics=("arbitrary",)),
    )(pts, cx, cy, cz, aux, wf)


def kernel(coords, feats, W, b):
    xi = coords[:, 1].reshape(B, ROWS, 128)
    yi = coords[:, 2].reshape(B, ROWS, 128)
    zi = coords[:, 3].reshape(B, ROWS, 128)
    idx, cpk = _run_fps(xi, yi, zi)
    cx = (cpk >> 14).astype(jnp.float32)
    cy = ((cpk >> 7) & 127).astype(jnp.float32)
    cz = (cpk & 127).astype(jnp.float32)
    gidx = (idx.T + jnp.arange(B, dtype=jnp.int32)[:, None] * N).reshape(-1)
    pts = _run_sc_gather(feats, gidx)
    aux = jnp.concatenate(
        [W[0:3, :], b[None, :], jnp.zeros((4, OUT_DIM), jnp.float32)], axis=0)
    xyz_out, out = _run_linear(pts, cx, cy, cz, aux, W[3:, :])
    return (xyz_out, out)

# --- scband reference (transcript-rebuilt; emitter-appended) ---
"""Pipeline reference for scband-tdlayer-43447889166904 (READ-ONLY COPY).

The authoritative reference and input builder live on the scoring server;
editing this copy changes nothing except your own understanding.
"""

import jax, jax.numpy as jnp
import numpy as np

B = 4
NV = 32768
DIM = 128
OUT_DIM = 256
K = 16


def setup_inputs(seed: int = 0) -> dict:
    key = jax.random.key(seed)
    k1, k2, k3, k4 = jax.random.split(key, 4)
    # coord column 0 is the (sorted) batch id, columns 1:4 are integer voxel coords
    batch_ids = jnp.repeat(jnp.arange(B, dtype=jnp.int32), NV // B)
    xyz = jax.random.randint(k1, (NV, 3), 0, 128, dtype=jnp.int32)
    coords = jnp.concatenate([batch_ids[:, None], xyz], axis=1)
    feats = jax.random.normal(k2, (NV, DIM), dtype=jnp.float32)
    # 1x1 Minkowski conv (pointwise linear) params: (input_dim + 3) -> out_dim
    W = jax.random.normal(k3, (DIM + 3, OUT_DIM), dtype=jnp.float32) * 0.02
    b = jnp.zeros((OUT_DIM,), dtype=jnp.float32)
    return {"coords": coords, "feats": feats, "W": W, "b": b}


def separate_batch(coords):
    # coords: (N_voxel, 4) with sorted batch ids; equal-length batches by construction
    Nv = coords.shape[0]
    batch_ids = coords[:, 0]
    N = Nv // B  # max voxels per batch (equal split)
    within = jnp.arange(Nv, dtype=jnp.int32) - batch_ids * N
    idx_ = within + batch_ids * N  # dense slot index, scatter destination
    new_coord = jnp.zeros((B * N, 3), dtype=jnp.int32).at[idx_].set(coords[:, 1:])
    mask = jnp.zeros((B * N,), dtype=jnp.int32).at[idx_].set(1)
    return new_coord.reshape(B, N, 3), mask.reshape(B, N), idx_


def farthest_point_sample(xyz, npoint):
    # xyz: [B, N, 3] float32
    Bb, N, _ = xyz.shape

    def body(i, state):
        dists, farthest, idxs = state
        idxs = idxs.at[:, i].set(farthest)
        centroid = xyz[jnp.arange(Bb), farthest][:, None, :]  # [B,1,3]
        d = jnp.sum((xyz - centroid) ** 2, axis=-1)
        dists = jnp.minimum(dists, d)
        farthest = jnp.argmax(dists, axis=-1).astype(jnp.int32)
        return dists, farthest, idxs

    dists = jnp.full((Bb, N), 1e10, dtype=jnp.float32)
    farthest = jnp.zeros((Bb,), dtype=jnp.int32)
    idxs = jnp.zeros((Bb, npoint), dtype=jnp.int32)
    _, _, idxs = jax.lax.fori_loop(0, npoint, body, (dists, farthest, idxs))
    return idxs


def index_points(points, idx):
    # points: [B, N, C], idx: [B, S] -> [B, S, C]
    return jnp.take_along_axis(points, idx[:, :, None], axis=1)


def reference(coords, feats, W, b):
    # separate_batch: scatter sparse voxels into dense [B, N, *] buffers
    x_c, mask, idx_ = separate_batch(coords)
    N = x_c.shape[1]
    dim = feats.shape[1]
    # scatter-overwrite features into dense slots (the memory-bound core op)
    x_f = jnp.zeros((B * N, dim), dtype=jnp.float32).at[idx_].set(feats)
    x_f = x_f.reshape(B, N, dim)

    ds_ratio = 4
    npoint = N // ds_ratio
    xyz_f = x_c.astype(jnp.float32)

    # FPS-only sample_and_group path
    fps_idx = farthest_point_sample(xyz_f, npoint)
    new_xyz = index_points(xyz_f, fps_idx)          # [B, npoint, 3]
    new_points = index_points(x_f, fps_idx)          # [B, npoint, dim]
    new_xyz_t = jnp.transpose(new_xyz, (0, 2, 1))    # [B, 3, npoint]
    new_points_t = jnp.transpose(new_points, (0, 2, 1))  # [B, dim, npoint]

    # cat_xyz_feature=True: concat normalized coords with features
    new_points_pooled = jnp.concatenate([new_xyz_t / new_xyz_t.mean(), new_points_t], axis=1)
    new_dim = new_points_pooled.shape[1]
    new_N = new_points_pooled.shape[2]

    batch_ids = jnp.repeat(jnp.arange(B, dtype=jnp.float32), new_N)[:, None]
    new_idx = jnp.arange(B * new_N)
    flat_xyz = jnp.take(jnp.transpose(new_xyz_t, (0, 2, 1)).reshape(B * new_N, 3), new_idx, axis=0)
    new_xyz_out = jnp.concatenate([batch_ids, flat_xyz], axis=1)  # [B*new_N, 4]
    flat_pts = jnp.take(jnp.transpose(new_points_pooled, (0, 2, 1)).reshape(B * new_N, new_dim), new_idx, axis=0)

    # 1x1 sparse conv (pointwise linear) + BatchNorm(identity at init) + ReLU
    out = jax.nn.relu(flat_pts @ W + b)  # [B*new_N, out_dim]
    return (new_xyz_out, out)

if __name__ == "__main__":
    import jax
    _d = setup_inputs()
    print(jax.jit(kernel)(*tuple(_d.values())))

</pallas_src>

<mosaic_0001>
#map = affine_map<(d0, d1) -> (0, 0)>
#map1 = affine_map<(d0, d1) -> (0)>
module attributes {stable_mosaic.version = 14 : i64} {
  func.func @_sc_gather_body(%arg0: i32, %arg1: i32, %arg2: memref<32768x128xf32, #tpu.memory_space<hbm>>, %arg3: memref<8192xi32, #tpu.memory_space<hbm>>, %arg4: memref<8192x128xf32, #tpu.memory_space<hbm>>, %arg5: memref<2x128xi32, #tpu.memory_space<vmem>>, %arg6: memref<256x128xf32, #tpu.memory_space<vmem>>, %arg7: memref<!tpu.dma_semaphore, #tpu.memory_space<semaphore_mem>>) attributes {dimension_semantics = [#tpu.dimension_semantics<core_parallel>, #tpu.dimension_semantics<subcore_parallel>], iteration_bounds = array<i64: 2, 16>, scalar_prefetch = 0 : i64, scratch_operands = 3 : i64, tpu.core_type = #tpu.core_type<sc_vector_subcore>, window_params = [{transform_indices = #map}, {transform_indices = #map1}, {transform_indices = #map}]} {
    %mul3A = arith.constant 2 : i32
    %mul3A_0 = arith.muli %arg1, %mul3A : i32
    %add3A = arith.addi %mul3A_0, %arg0 : i32
    %mul3A_1 = arith.constant 256 : i32
    %mul3A_2 = arith.muli %add3A, %mul3A_1 : i32
    %add3A_3 = arith.constant 0 : i32
    %add3A_4 = arith.addi %mul3A_2, %add3A_3 : i32
    %run_scoped3A = arith.constant 0 : i32
    "tpu.region"() ({
      %run_scoped3A_46 = tpu.sem_alloc : memref<!tpu.dma_semaphore, #tpu.memory_space<semaphore_mem>>
      %dma_start3A_47 = arith.constant 0 : i32
      %dma_start3A_48 = tpu.memref_slice %arg5[%run_scoped3A, %dma_start3A_47] : memref<2x128xi32, #tpu.memory_space<vmem>> -> memref<1x128xi32, #tpu.memory_space<vmem>>
      %dma_start3A_49 = tpu.memref_squeeze %dma_start3A_48 : memref<1x128xi32, #tpu.memory_space<vmem>> -> memref<128xi32, #tpu.memory_space<vmem>>
      %dma_start3A_50 = tpu.memref_slice %arg3[%add3A_4] : memref<8192xi32, #tpu.memory_space<hbm>> -> memref<128xi32, #tpu.memory_space<hbm>>
      %dma_start3A_51 = arith.constant 0 : i32
      %dma_start3A_52 = tpu.memref_slice %arg5[%run_scoped3A, %dma_start3A_51] : memref<2x128xi32, #tpu.memory_space<vmem>> -> memref<1x128xi32, #tpu.memory_space<vmem>>
      %dma_start3A_53 = tpu.memref_squeeze %dma_start3A_52 : memref<1x128xi32, #tpu.memory_space<vmem>> -> memref<128xi32, #tpu.memory_space<vmem>>
      %dma_start3A_54 = tpu.memref_slice %arg3[%add3A_4] : memref<8192xi32, #tpu.memory_space<hbm>> -> memref<128xi32, #tpu.memory_space<hbm>>
      tpu.enqueue_dma source(%dma_start3A_54 : memref<128xi32, #tpu.memory_space<hbm>>) target(%dma_start3A_53 : memref<128xi32, #tpu.memory_space<vmem>>) target_semaphore(%run_scoped3A_46 : memref<!tpu.dma_semaphore, #tpu.memory_space<semaphore_mem>>)
      %dma_wait3A_55 = arith.constant 0 : i32
      %dma_wait3A_56 = tpu.memref_slice %arg5[%run_scoped3A, %dma_wait3A_55] : memref<2x128xi32, #tpu.memory_space<vmem>> -> memref<1x128xi32, #tpu.memory_space<vmem>>
      %dma_wait3A_57 = tpu.memref_squeeze %dma_wait3A_56 : memref<1x128xi32, #tpu.memory_space<vmem>> -> memref<128xi32, #tpu.memory_space<vmem>>
      %dma_wait3A_58 = tpu.memref_slice %arg3[%add3A_4] : memref<8192xi32, #tpu.memory_space<hbm>> -> memref<128xi32, #tpu.memory_space<hbm>>
      %dma_wait3A_59 = arith.constant 0 : i32
      %dma_wait3A_60 = tpu.memref_slice %arg5[%run_scoped3A, %dma_wait3A_59] : memref<2x128xi32, #tpu.memory_space<vmem>> -> memref<1x128xi32, #tpu.memory_space<vmem>>
      %dma_wait3A_61 = tpu.memref_squeeze %dma_wait3A_60 : memref<1x128xi32, #tpu.memory_space<vmem>> -> memref<128xi32, #tpu.memory_space<vmem>>
      %dma_wait3A_62 = tpu.memref_slice %arg3[%add3A_4] : memref<8192xi32, #tpu.memory_space<hbm>> -> memref<128xi32, #tpu.memory_space<hbm>>
      tpu.wait_dma2 semaphore(%run_scoped3A_46 : memref<!tpu.dma_semaphore, #tpu.memory_space<semaphore_mem>>) src(%dma_wait3A_62 : memref<128xi32, #tpu.memory_space<hbm>>) dst(%dma_wait3A_61 : memref<128xi32, #tpu.memory_space<vmem>>)
      tpu.yield
    }) : () -> ()
    %add3A_5 = arith.constant 128 : i32
    %add3A_6 = arith.addi %mul3A_2, %add3A_5 : i32
    %run_scoped3A_7 = arith.constant 1 : i32
    "tpu.region"() ({
      %run_scoped3A_46 = tpu.sem_alloc : memref<!tpu.dma_semaphore, #tpu.memory_space<semaphore_mem>>
      %dma_start3A_47 = arith.constant 0 : i32
      %dma_start3A_48 = tpu.memref_slice %arg5[%run_scoped3A_7, %dma_start3A_47] : memref<2x128xi32, #tpu.memory_space<vmem>> -> memref<1x128xi32, #tpu.memory_space<vmem>>
      %dma_start3A_49 = tpu.memref_squeeze %dma_start3A_48 : memref<1x128xi32, #tpu.memory_space<vmem>> -> memref<128xi32, #tpu.memory_space<vmem>>
      %dma_start3A_50 = tpu.memref_slice %arg3[%add3A_6] : memref<8192xi32, #tpu.memory_space<hbm>> -> memref<128xi32, #tpu.memory_space<hbm>>
      %dma_start3A_51 = arith.constant 0 : i32
      %dma_start3A_52 = tpu.memref_slice %arg5[%run_scoped3A_7, %dma_start3A_51] : memref<2x128xi32, #tpu.memory_space<vmem>> -> memref<1x128xi32, #tpu.memory_space<vmem>>
      %dma_start3A_53 = tpu.memref_squeeze %dma_start3A_52 : memref<1x128xi32, #tpu.memory_space<vmem>> -> memref<128xi32, #tpu.memory_space<vmem>>
      %dma_start3A_54 = tpu.memref_slice %arg3[%add3A_6] : memref<8192xi32, #tpu.memory_space<hbm>> -> memref<128xi32, #tpu.memory_space<hbm>>
      tpu.enqueue_dma source(%dma_start3A_54 : memref<128xi32, #tpu.memory_space<hbm>>) target(%dma_start3A_53 : memref<128xi32, #tpu.memory_space<vmem>>) target_semaphore(%run_scoped3A_46 : memref<!tpu.dma_semaphore, #tpu.memory_space<semaphore_mem>>)
      %dma_wait3A_55 = arith.constant 0 : i32
      %dma_wait3A_56 = tpu.memref_slice %arg5[%run_scoped3A_7, %dma_wait3A_55] : memref<2x128xi32, #tpu.memory_space<vmem>> -> memref<1x128xi32, #tpu.memory_space<vmem>>
      %dma_wait3A_57 = tpu.memref_squeeze %dma_wait3A_56 : memref<1x128xi32, #tpu.memory_space<vmem>> -> memref<128xi32, #tpu.memory_space<vmem>>
      %dma_wait3A_58 = tpu.memref_slice %arg3[%add3A_6] : memref<8192xi32, #tpu.memory_space<hbm>> -> memref<128xi32, #tpu.memory_space<hbm>>
      %dma_wait3A_59 = arith.constant 0 : i32
      %dma_wait3A_60 = tpu.memref_slice %arg5[%run_scoped3A_7, %dma_wait3A_59] : memref<2x128xi32, #tpu.memory_space<vmem>> -> memref<1x128xi32, #tpu.memory_space<vmem>>
      %dma_wait3A_61 = tpu.memref_squeeze %dma_wait3A_60 : memref<1x128xi32, #tpu.memory_space<vmem>> -> memref<128xi32, #tpu.memory_space<vmem>>
      %dma_wait3A_62 = tpu.memref_slice %arg3[%add3A_6] : memref<8192xi32, #tpu.memory_space<hbm>> -> memref<128xi32, #tpu.memory_space<hbm>>
      tpu.wait_dma2 semaphore(%run_scoped3A_46 : memref<!tpu.dma_semaphore, #tpu.memory_space<semaphore_mem>>) src(%dma_wait3A_62 : memref<128xi32, #tpu.memory_space<hbm>>) dst(%dma_wait3A_61 : memref<128xi32, #tpu.memory_space<vmem>>)
      tpu.yield
    }) : () -> ()
    %dma_start3A = arith.constant 0 : i32
    %dma_start3A_8 = arith.constant 0 : i32
    %dma_start3A_9 = arith.constant 0 : i32
    %dma_start3A_10 = tpu.memref_slice %arg6[%dma_start3A_8, %dma_start3A_9] : memref<256x128xf32, #tpu.memory_space<vmem>> -> memref<128x128xf32, #tpu.memory_space<vmem>>
    %dma_start3A_11 = arith.constant 0 : i32
    %dma_start3A_12 = tpu.memref_slice %arg5[%dma_start3A, %dma_start3A_11] : memref<2x128xi32, #tpu.memory_space<vmem>> -> memref<1x128xi32, #tpu.memory_space<vmem>>
    %dma_start3A_13 = tpu.memref_squeeze %dma_start3A_12 : memref<1x128xi32, #tpu.memory_space<vmem>> -> memref<128xi32, #tpu.memory_space<vmem>>
    %dma_start3A_14 = arith.constant 0 : i32
    %dma_start3A_15 = arith.constant 0 : i32
    %dma_start3A_16 = tpu.memref_slice %arg2[%dma_start3A_14, %dma_start3A_15] : memref<32768x128xf32, #tpu.memory_space<hbm>> -> memref<32768x128xf32, #tpu.memory_space<hbm>>
    tpu.enqueue_indirect_dma source(%dma_start3A_16 : memref<32768x128xf32, #tpu.memory_space<hbm>>) target(%dma_start3A_10 : memref<128x128xf32, #tpu.memory_space<vmem>>) offsets(%dma_start3A_13 : memref<128xi32, #tpu.memory_space<vmem>>) semaphore(%arg7 : memref<!tpu.dma_semaphore, #tpu.memory_space<semaphore_mem>>)
    %dma_start3A_17 = arith.constant 1 : i32
    %dma_start3A_18 = arith.constant 128 : i32
    %dma_start3A_19 = arith.constant 0 : i32
    %dma_start3A_20 = tpu.memref_slice %arg6[%dma_start3A_18, %dma_start3A_19] : memref<256x128xf32, #tpu.memory_space<vmem>> -> memref<128x128xf32, #tpu.memory_space<vmem>>
    %dma_start3A_21 = arith.constant 0 : i32
    %dma_start3A_22 = tpu.memref_slice %arg5[%dma_start3A_17, %dma_start3A_21] : memref<2x128xi32, #tpu.memory_space<vmem>> -> memref<1x128xi32, #tpu.memory_space<vmem>>
    %dma_start3A_23 = tpu.memref_squeeze %dma_start3A_22 : memref<1x128xi32, #tpu.memory_space<vmem>> -> memref<128xi32, #tpu.memory_space<vmem>>
    %dma_start3A_24 = arith.constant 0 : i32
    %dma_start3A_25 = arith.constant 0 : i32
    %dma_start3A_26 = tpu.memref_slice %arg2[%dma_start3A_24, %dma_start3A_25] : memref<32768x128xf32, #tpu.memory_space<hbm>> -> memref<32768x128xf32, #tpu.memory_space<hbm>>
    tpu.enqueue_indirect_dma source(%dma_start3A_26 : memref<32768x128xf32, #tpu.memory_space<hbm>>) target(%dma_start3A_20 : memref<128x128xf32, #tpu.memory_space<vmem>>) offsets(%dma_start3A_23 : memref<128xi32, #tpu.memory_space<vmem>>) semaphore(%arg7 : memref<!tpu.dma_semaphore, #tpu.memory_space<semaphore_mem>>)
    %dma_wait3A = arith.constant 0 : i32
    %dma_wait3A_27 = arith.constant 0 : i32
    %dma_wait3A_28 = arith.constant 0 : i32
    %dma_wait3A_29 = tpu.memref_slice %arg6[%dma_wait3A_27, %dma_wait3A_28] : memref<256x128xf32, #tpu.memory_space<vmem>> -> memref<128x128xf32, #tpu.memory_space<vmem>>
    %dma_wait3A_30 = arith.constant 0 : i32
    %dma_wait3A_31 = tpu.memref_slice %arg5[%dma_wait3A, %dma_wait3A_30] : memref<2x128xi32, #tpu.memory_space<vmem>> -> memref<1x128xi32, #tpu.memory_space<vmem>>
    %dma_wait3A_32 = tpu.memref_squeeze %dma_wait3A_31 : memref<1x128xi32, #tpu.memory_space<vmem>> -> memref<128xi32, #tpu.memory_space<vmem>>
    %dma_wait3A_33 = arith.constant 0 : i32
    %dma_wait3A_34 = arith.constant 0 : i32
    %dma_wait3A_35 = tpu.memref_slice %arg2[%dma_wait3A_33, %dma_wait3A_34] : memref<32768x128xf32, #tpu.memory_space<hbm>> -> memref<32768x128xf32, #tpu.memory_space<hbm>>
    tpu.wait_indirect_dma semaphore(%arg7 : memref<!tpu.dma_semaphore, #tpu.memory_space<semaphore_mem>>) src(%dma_wait3A_35 : memref<32768x128xf32, #tpu.memory_space<hbm>>) dst(%dma_wait3A_29 : memref<128x128xf32, #tpu.memory_space<vmem>>)
    %dma_wait3A_36 = arith.constant 1 : i32
    %dma_wait3A_37 = arith.constant 128 : i32
    %dma_wait3A_38 = arith.constant 0 : i32
    %dma_wait3A_39 = tpu.memref_slice %arg6[%dma_wait3A_37, %dma_wait3A_38] : memref<256x128xf32, #tpu.memory_space<vmem>> -> memref<128x128xf32, #tpu.memory_space<vmem>>
    %dma_wait3A_40 = arith.constant 0 : i32
    %dma_wait3A_41 = tpu.memref_slice %arg5[%dma_wait3A_36, %dma_wait3A_40] : memref<2x128xi32, #tpu.memory_space<vmem>> -> memref<1x128xi32, #tpu.memory_space<vmem>>
    %dma_wait3A_42 = tpu.memref_squeeze %dma_wait3A_41 : memref<1x128xi32, #tpu.memory_space<vmem>> -> memref<128xi32, #tpu.memory_space<vmem>>
    %dma_wait3A_43 = arith.constant 0 : i32
    %dma_wait3A_44 = arith.constant 0 : i32
    %dma_wait3A_45 = tpu.memref_slice %arg2[%dma_wait3A_43, %dma_wait3A_44] : memref<32768x128xf32, #tpu.memory_space<hbm>> -> memref<32768x128xf32, #tpu.memory_space<hbm>>
    tpu.wait_indirect_dma semaphore(%arg7 : memref<!tpu.dma_semaphore, #tpu.memory_space<semaphore_mem>>) src(%dma_wait3A_45 : memref<32768x128xf32, #tpu.memory_space<hbm>>) dst(%dma_wait3A_39 : memref<128x128xf32, #tpu.memory_space<vmem>>)
    "tpu.region"() ({
      %run_scoped3A_46 = tpu.sem_alloc : memref<!tpu.dma_semaphore, #tpu.memory_space<semaphore_mem>>
      %dma_start3A_47 = arith.constant 0 : i32
      %dma_start3A_48 = tpu.memref_slice %arg4[%mul3A_2, %dma_start3A_47] : memref<8192x128xf32, #tpu.memory_space<hbm>> -> memref<256x128xf32, #tpu.memory_space<hbm>>
      %dma_start3A_49 = arith.constant 0 : i32
      %dma_start3A_50 = tpu.memref_slice %arg4[%mul3A_2, %dma_start3A_49] : memref<8192x128xf32, #tpu.memory_space<hbm>> -> memref<256x128xf32, #tpu.memory_space<hbm>>
      tpu.enqueue_dma source(%arg6 : memref<256x128xf32, #tpu.memory_space<vmem>>) target(%dma_start3A_50 : memref<256x128xf32, #tpu.memory_space<hbm>>) target_semaphore(%run_scoped3A_46 : memref<!tpu.dma_semaphore, #tpu.memory_space<semaphore_mem>>)
      %dma_wait3A_51 = arith.constant 0 : i32
      %dma_wait3A_52 = tpu.memref_slice %arg4[%mul3A_2, %dma_wait3A_51] : memref<8192x128xf32, #tpu.memory_space<hbm>> -> memref<256x128xf32, #tpu.memory_space<hbm>>
      %dma_wait3A_53 = arith.constant 0 : i32
      %dma_wait3A_54 = tpu.memref_slice %arg4[%mul3A_2, %dma_wait3A_53] : memref<8192x128xf32, #tpu.memory_space<hbm>> -> memref<256x128xf32, #tpu.memory_space<hbm>>
      tpu.wait_dma2 semaphore(%run_scoped3A_46 : memref<!tpu.dma_semaphore, #tpu.memory_space<semaphore_mem>>) src(%arg6 : memref<256x128xf32, #tpu.memory_space<vmem>>) dst(%dma_wait3A_54 : memref<256x128xf32, #tpu.memory_space<hbm>>)
      tpu.yield
    }) : () -> ()
    return
  }
}

module attributes {stable_mosaic.version = 14 : i64} {
  func.func @_fps_body(%arg0: memref<4x64x128xi32, #tpu.memory_space<vmem>>, %arg1: memref<4x64x128xi32, #tpu.memory_space<vmem>>, %arg2: memref<4x64x128xi32, #tpu.memory_space<vmem>>, %arg3: memref<2048x4xi32, #tpu.memory_space<vmem>>, %arg4: memref<2048x4xi32, #tpu.memory_space<vmem>>) attributes {dimension_semantics = [], scalar_prefetch = 0 : i64, scratch_operands = 0 : i64, tpu.core_type = #tpu.core_type<tc>} {
    %get3A = arith.constant 0 : index
    %get3A_0 = arith.constant 0 : index
    %get3A_1 = arith.constant 0 : index
    %get3A_2 = vector.load %arg0[%get3A, %get3A_0, %get3A_1] : memref<4x64x128xi32, #tpu.memory_space<vmem>>, vector<4x64x128xi32>
    %get3A_3 = arith.constant 0 : index
    %get3A_4 = arith.constant 0 : index
    %get3A_5 = arith.constant 0 : index
    %get3A_6 = vector.load %arg1[%get3A_3, %get3A_4, %get3A_5] : memref<4x64x128xi32, #tpu.memory_space<vmem>>, vector<4x64x128xi32>
    %get3A_7 = arith.constant 0 : index
    %get3A_8 = arith.constant 0 : index
    %get3A_9 = arith.constant 0 : index
    %get3A_10 = vector.load %arg2[%get3A_7, %get3A_8, %get3A_9] : memref<4x64x128xi32, #tpu.memory_space<vmem>>, vector<4x64x128xi32>
    %iota3A = tpu.iota {dimensions = array<i32: 1>} : vector<4x64x128xi32>
    %mul3A = arith.constant 128 : i32
    %mul3A_11 = vector.broadcast %mul3A : i32 to vector<4x64x128xi32>
    %mul3A_12 = arith.muli %iota3A, %mul3A_11 : vector<4x64x128xi32>
    %iota3A_13 = tpu.iota {dimensions = array<i32: 2>} : vector<4x64x128xi32>
    %add3A = arith.addi %mul3A_12, %iota3A_13 : vector<4x64x128xi32>
    %sub3A = arith.constant 8191 : i32
    %sub3A_14 = vector.broadcast %sub3A : i32 to vector<4x64x128xi32>
    %sub3A_15 = arith.subi %sub3A_14, %add3A : vector<4x64x128xi32>
    %mul3A_16 = arith.muli %get3A_2, %get3A_2 : vector<4x64x128xi32>
    %mul3A_17 = arith.muli %get3A_6, %get3A_6 : vector<4x64x128xi32>
    %add3A_18 = arith.addi %mul3A_16, %mul3A_17 : vector<4x64x128xi32>
    %mul3A_19 = arith.muli %get3A_10, %get3A_10 : vector<4x64x128xi32>
    %add3A_20 = arith.addi %add3A_18, %mul3A_19 : vector<4x64x128xi32>
    %mul3A_21 = arith.constant 8192 : i32
    %mul3A_22 = vector.broadcast %mul3A_21 : i32 to vector<4x64x128xi32>
    %mul3A_23 = arith.muli %add3A_20, %mul3A_22 : vector<4x64x128xi32>
    %add3A_24 = arith.addi %mul3A_23, %sub3A_15 : vector<4x64x128xi32>
    %mul3A_25 = arith.constant 16384 : i32
    %mul3A_26 = vector.broadcast %mul3A_25 : i32 to vector<4x64x128xi32>
    %mul3A_27 = arith.muli %get3A_2, %mul3A_26 : vector<4x64x128xi32>
    %mul3A_28 = arith.constant 128 : i32
    %mul3A_29 = vector.broadcast %mul3A_28 : i32 to vector<4x64x128xi32>
    %mul3A_30 = arith.muli %get3A_6, %mul3A_29 : vector<4x64x128xi32>
    %add3A_31 = arith.addi %mul3A_27, %mul3A_30 : vector<4x64x128xi32>
    %add3A_32 = arith.addi %add3A_31, %get3A_10 : vector<4x64x128xi32>
    %add3A_33 = arith.constant 1073741824 : i32
    %add3A_34 = vector.broadcast %add3A_33 : i32 to vector<4x64x128xi32>
    %add3A_35 = arith.addi %add3A_34, %sub3A_15 : vector<4x64x128xi32>
    %broadcast_in_dim3A = arith.constant 1073750015 : i32
    %broadcast_in_dim3A_36 = vector.broadcast %broadcast_in_dim3A : i32 to vector<4x1x1xi32>
    %scan3A = arith.constant 0 : i32
    %scan3A_37 = arith.constant 128 : i32
    %scan3A_38 = arith.addi %scan3A, %scan3A_37 : i32
    %scan3A_39 = arith.constant 1 : i32
    %scan3A_40:2 = scf.for %scan3A_42 = %scan3A to %scan3A_38 step %scan3A_39 iter_args(%scan3A_43 = %add3A_35, %scan3A_44 = %broadcast_in_dim3A_36) -> (vector<4x64x128xi32>, vector<4x1x1xi32>)  : i32 {
      %mul3A_45 = arith.constant 16 : i32
      %mul3A_46 = arith.muli %scan3A_42, %mul3A_45 : i32
      %add3A_47 = arith.constant 0 : i32
      %add3A_48 = arith.addi %mul3A_46, %add3A_47 : i32
      %eq3A = vector.broadcast %scan3A_44 : vector<4x1x1xi32> to vector<4x64x128xi32>
      %eq3A_49 = arith.cmpi eq, %scan3A_43, %eq3A : vector<4x64x128xi32>
      %jit3A = arith.constant 0 : i32
      %broadcast_in_dim3A_50 = vector.broadcast %jit3A : i32 to vector<4x64x128xi32>
      %select_n3A = arith.select %eq3A_49, %add3A_32, %broadcast_in_dim3A_50 : vector<4x64x128xi1>, vector<4x64x128xi32>
      %reduce_max3A = arith.constant dense<-2147483648> : vector<4xi32>
      %reduce_max3A_51 = vector.multi_reduction <maxsi>, %select_n3A, %reduce_max3A [1, 2] : vector<4x64x128xi32> to vector<4xi32>
      %broadcast_in_dim3A_52 = vector.shape_cast %reduce_max3A_51 : vector<4xi32> to vector<4x1x1xi32>
      %and3A = arith.constant 8191 : i32
      %and3A_53 = vector.broadcast %and3A : i32 to vector<4x1x1xi32>
      %and3A_54 = arith.andi %scan3A_44, %and3A_53 : vector<4x1x1xi32>
      %sub3A_55 = arith.constant 8191 : i32
      %sub3A_56 = vector.broadcast %sub3A_55 : i32 to vector<4x1x1xi32>
      %sub3A_57 = arith.subi %sub3A_56, %and3A_54 : vector<4x1x1xi32>
      %slice3A = vector.extract_strided_slice %sub3A_57 {offsets = [0, 0, 0], sizes = [1, 1, 1], strides = [1, 1, 1]} : vector<4x1x1xi32> to vector<1x1x1xi32>
      %squeeze3A = vector.shape_cast %slice3A : vector<1x1x1xi32> to vector<1x1xi32>
      %slice3A_58 = vector.extract_strided_slice %sub3A_57 {offsets = [1, 0, 0], sizes = [1, 1, 1], strides = [1, 1, 1]} : vector<4x1x1xi32> to vector<1x1x1xi32>
      %squeeze3A_59 = vector.shape_cast %slice3A_58 : vector<1x1x1xi32> to vector<1x1xi32>
      %slice3A_60 = vector.extract_strided_slice %sub3A_57 {offsets = [2, 0, 0], sizes = [1, 1, 1], strides = [1, 1, 1]} : vector<4x1x1xi32> to vector<1x1x1xi32>
      %squeeze3A_61 = vector.shape_cast %slice3A_60 : vector<1x1x1xi32> to vector<1x1xi32>
      %slice3A_62 = vector.extract_strided_slice %sub3A_57 {offsets = [3, 0, 0], sizes = [1, 1, 1], strides = [1, 1, 1]} : vector<4x1x1xi32> to vector<1x1x1xi32>
      %squeeze3A_63 = vector.shape_cast %slice3A_62 : vector<1x1x1xi32> to vector<1x1xi32>
      %concatenate3A = tpu.concatenate %squeeze3A, %squeeze3A_59, %squeeze3A_61, %squeeze3A_63 in 1 : vector<1x1xi32>, vector<1x1xi32>, vector<1x1xi32>, vector<1x1xi32> -> vector<1x4xi32>
      %swap3A = arith.index_cast %add3A_48 : i32 to index
      %swap3A_64 = arith.constant 0 : index
      %swap3A_65 = vector.load %arg3[%swap3A, %swap3A_64] : memref<2048x4xi32, #tpu.memory_space<vmem>>, vector<1x4xi32>
      tpu.vector_store %arg3[%swap3A, %swap3A_64], %concatenate3A {strides = array<i32>} : memref<2048x4xi32, #tpu.memory_space<vmem>>, vector<1x4xi32>,
      %slice3A_66 = vector.extract_strided_slice %broadcast_in_dim3A_52 {offsets = [0, 0, 0], sizes = [1, 1, 1], strides = [1, 1, 1]} : vector<4x1x1xi32> to vector<1x1x1xi32>
      %squeeze3A_67 = vector.shape_cast %slice3A_66 : vector<1x1x1xi32> to vector<1x1xi32>
      %slice3A_68 = vector.extract_strided_slice %broadcast_in_dim3A_52 {offsets = [1, 0, 0], sizes = [1, 1, 1], strides = [1, 1, 1]} : vector<4x1x1xi32> to vector<1x1x1xi32>
      %squeeze3A_69 = vector.shape_cast %slice3A_68 : vector<1x1x1xi32> to vector<1x1xi32>
      %slice3A_70 = vector.extract_strided_slice %broadcast_in_dim3A_52 {offsets = [2, 0, 0], sizes = [1, 1, 1], strides = [1, 1, 1]} : vector<4x1x1xi32> to vector<1x1x1xi32>
      %squeeze3A_71 = vector.shape_cast %slice3A_70 : vector<1x1x1xi32> to vector<1x1xi32>
      %slice3A_72 = vector.extract_strided_slice %broadcast_in_dim3A_52 {offsets = [3, 0, 0], sizes = [1, 1, 1], strides = [1, 1, 1]} : vector<4x1x1xi32> to vector<1x1x1xi32>
      %squeeze3A_73 = vector.shape_cast %slice3A_72 : vector<1x1x1xi32> to vector<1x1xi32>
      %concatenate3A_74 = tpu.concatenate %squeeze3A_67, %squeeze3A_69, %squeeze3A_71, %squeeze3A_73 in 1 : vector<1x1xi32>, vector<1x1xi32>, vector<1x1xi32>, vector<1x1xi32> -> vector<1x4xi32>
      %swap3A_75 = arith.index_cast %add3A_48 : i32 to index
      %swap3A_76 = arith.constant 0 : index
      %swap3A_77 = vector.load %arg4[%swap3A_75, %swap3A_76] : memref<2048x4xi32, #tpu.memory_space<vmem>>, vector<1x4xi32>
      tpu.vector_store %arg4[%swap3A_75, %swap3A_76], %concatenate3A_74 {strides = array<i32>} : memref<2048x4xi32, #tpu.memory_space<vmem>>, vector<1x4xi32>,
      %shift_right_arithmetic3A = arith.constant 14 : i32
      %shift_right_arithmetic3A_78 = vector.broadcast %shift_right_arithmetic3A : i32 to vector<4x1x1xi32>
      %shift_right_arithmetic3A_79 = arith.shrsi %broadcast_in_dim3A_52, %shift_right_arithmetic3A_78 : vector<4x1x1xi32>
      %shift_right_arithmetic3A_80 = arith.constant 7 : i32
      %shift_right_arithmetic3A_81 = vector.broadcast %shift_right_arithmetic3A_80 : i32 to vector<4x1x1xi32>
      %shift_right_arithmetic3A_82 = arith.shrsi %broadcast_in_dim3A_52, %shift_right_arithmetic3A_81 : vector<4x1x1xi32>
      %and3A_83 = arith.constant 127 : i32
      %and3A_84 = vector.broadcast %and3A_83 : i32 to vector<4x1x1xi32>
      %and3A_85 = arith.andi %shift_right_arithmetic3A_82, %and3A_84 : vector<4x1x1xi32>
      %and3A_86 = arith.constant 127 : i32
      %and3A_87 = vector.broadcast %and3A_86 : i32 to vector<4x1x1xi32>
      %and3A_88 = arith.andi %broadcast_in_dim3A_52, %and3A_87 : vector<4x1x1xi32>
      %mul3A_89 = arith.muli %shift_right_arithmetic3A_79, %shift_right_arithmetic3A_79 : vector<4x1x1xi32>
      %mul3A_90 = arith.muli %and3A_85, %and3A_85 : vector<4x1x1xi32>
      %add3A_91 = arith.addi %mul3A_89, %mul3A_90 : vector<4x1x1xi32>
      %mul3A_92 = arith.muli %and3A_88, %and3A_88 : vector<4x1x1xi32>
      %add3A_93 = arith.addi %add3A_91, %mul3A_92 : vector<4x1x1xi32>
      %mul3A_94 = vector.broadcast %shift_right_arithmetic3A_79 : vector<4x1x1xi32> to vector<4x64x128xi32>
      %mul3A_95 = arith.muli %get3A_2, %mul3A_94 : vector<4x64x128xi32>
      %mul3A_96 = vector.broadcast %and3A_85 : vector<4x1x1xi32> to vector<4x64x128xi32>
      %mul3A_97 = arith.muli %get3A_6, %mul3A_96 : vector<4x64x128xi32>
      %add3A_98 = arith.addi %mul3A_95, %mul3A_97 : vector<4x64x128xi32>
      %mul3A_99 = vector.broadcast %and3A_88 : vector<4x1x1xi32> to vector<4x64x128xi32>
      %mul3A_100 = arith.muli %get3A_10, %mul3A_99 : vector<4x64x128xi32>
      %add3A_101 = arith.addi %add3A_98, %mul3A_100 : vector<4x64x128xi32>
      %mul3A_102 = arith.constant 8192 : i32
      %mul3A_103 = vector.broadcast %mul3A_102 : i32 to vector<4x1x1xi32>
      %mul3A_104 = arith.muli %add3A_93, %mul3A_103 : vector<4x1x1xi32>
      %add3A_105 = vector.broadcast %mul3A_104 : vector<4x1x1xi32> to vector<4x64x128xi32>
      %add3A_106 = arith.addi %add3A_24, %add3A_105 : vector<4x64x128xi32>
      %mul3A_107 = arith.constant 16384 : i32
      %mul3A_108 = vector.broadcast %mul3A_107 : i32 to vector<4x64x128xi32>
      %mul3A_109 = arith.muli %add3A_101, %mul3A_108 : vector<4x64x128xi32>
      %sub3A_110 = arith.subi %add3A_106, %mul3A_109 : vector<4x64x128xi32>
      %min3A = arith.minsi %scan3A_43, %sub3A_110 : vector<4x64x128xi32>
      %reduce_max3A_111 = arith.constant dense<-2147483648> : vector<4xi32>
      %reduce_max3A_112 = vector.multi_reduction <maxsi>, %min3A, %reduce_max3A_111 [1, 2] : vector<4x64x128xi32> to vector<4xi32>
      %broadcast_in_dim3A_113 = vector.shape_cast %reduce_max3A_112 : vector<4xi32> to vector<4x1x1xi32>
      %mul3A_114 = arith.constant 16 : i32
      %mul3A_115 = arith.muli %scan3A_42, %mul3A_114 : i32
      %add3A_116 = arith.constant 1 : i32
      %add3A_117 = arith.addi %mul3A_115, %add3A_116 : i32
      %eq3A_118 = vector.broadcast %broadcast_in_dim3A_113 : vector<4x1x1xi32> to vector<4x64x128xi32>
      %eq3A_119 = arith.cmpi eq, %min3A, %eq3A_118 : vector<4x64x128xi32>
      %jit3A_120 = arith.constant 0 : i32
      %broadcast_in_dim3A_121 = vector.broadcast %jit3A_120 : i32 to vector<4x64x128xi32>
      %select_n3A_122 = arith.select %eq3A_119, %add3A_32, %broadcast_in_dim3A_121 : vector<4x64x128xi1>, vector<4x64x128xi32>
      %reduce_max3A_123 = arith.constant dense<-2147483648> : vector<4xi32>
      %reduce_max3A_124 = vector.multi_reduction <maxsi>, %select_n3A_122, %reduce_max3A_123 [1, 2] : vector<4x64x128xi32> to vector<4xi32>
      %broadcast_in_dim3A_125 = vector.shape_cast %reduce_max3A_124 : vector<4xi32> to vector<4x1x1xi32>
      %and3A_126 = arith.constant 8191 : i32
      %and3A_127 = vector.broadcast %and3A_126 : i32 to vector<4x1x1xi32>
      %and3A_128 = arith.andi %broadcast_in_dim3A_113, %and3A_127 : vector<4x1x1xi32>
      %sub3A_129 = arith.constant 8191 : i32
      %sub3A_130 = vector.broadcast %sub3A_129 : i32 to vector<4x1x1xi32>
      %sub3A_131 = arith.subi %sub3A_130, %and3A_128 : vector<4x1x1xi32>
      %slice3A_132 = vector.extract_strided_slice %sub3A_131 {offsets = [0, 0, 0], sizes = [1, 1, 1], strides = [1, 1, 1]} : vector<4x1x1xi32> to vector<1x1x1xi32>
      %squeeze3A_133 = vector.shape_cast %slice3A_132 : vector<1x1x1xi32> to vector<1x1xi32>
      %slice3A_134 = vector.extract_strided_slice %sub3A_131 {offsets = [1, 0, 0], sizes = [1, 1, 1], strides = [1, 1, 1]} : vector<4x1x1xi32> to vector<1x1x1xi32>
      %squeeze3A_135 = vector.shape_cast %slice3A_134 : vector<1x1x1xi32> to vector<1x1xi32>
      %slice3A_136 = vector.extract_strided_slice %sub3A_131 {offsets = [2, 0, 0], sizes = [1, 1, 1], strides = [1, 1, 1]} : vector<4x1x1xi32> to vector<1x1x1xi32>
      %squeeze3A_137 = vector.shape_cast %slice3A_136 : vector<1x1x1xi32> to vector<1x1xi32>
      %slice3A_138 = vector.extract_strided_slice %sub3A_131 {offsets = [3, 0, 0], sizes = [1, 1, 1], strides = [1, 1, 1]} : vector<4x1x1xi32> to vector<1x1x1xi32>
      %squeeze3A_139 = vector.shape_cast %slice3A_138 : vector<1x1x1xi32> to vector<1x1xi32>
      %concatenate3A_140 = tpu.concatenate %squeeze3A_133, %squeeze3A_135, %squeeze3A_137, %squeeze3A_139 in 1 : vector<1x1xi32>, vector<1x1xi32>, vector<1x1xi32>, vector<1x1xi32> -> vector<1x4xi32>
      %swap3A_141 = arith.index_cast %add3A_117 : i32 to index
      %swap3A_142 = arith.constant 0 : index
      %swap3A_143 = vector.load %arg3[%swap3A_141, %swap3A_142] : memref<2048x4xi32, #tpu.memory_space<vmem>>, vector<1x4xi32>
      tpu.vector_store %arg3[%swap3A_141, %swap3A_142], %concatenate3A_140 {strides = array<i32>} : memref<2048x4xi32, #tpu.memory_space<vmem>>, vector<1x4xi32>,
      %slice3A_144 = vector.extract_strided_slice %broadcast_in_dim3A_125 {offsets = [0, 0, 0], sizes = [1, 1, 1], strides = [1, 1, 1]} : vector<4x1x1xi32> to vector<1x1x1xi32>
      %squeeze3A_145 = vector.shape_cast %slice3A_144 : vector<1x1x1xi32> to vector<1x1xi32>
      %slice3A_146 = vector.extract_strided_slice %broadcast_in_dim3A_125 {offsets = [1, 0, 0], sizes = [1, 1, 1], strides = [1, 1, 1]} : vector<4x1x1xi32> to vector<1x1x1xi32>
      %squeeze3A_147 = vector.shape_cast %slice3A_146 : vector<1x1x1xi32> to vector<1x1xi32>
      %slice3A_148 = vector.extract_strided_slice %broadcast_in_dim3A_125 {offsets = [2, 0, 0], sizes = [1, 1, 1], strides = [1, 1, 1]} : vector<4x1x1xi32> to vector<1x1x1xi32>
      %squeeze3A_149 = vector.shape_cast %slice3A_148 : vector<1x1x1xi32> to vector<1x1xi32>
      %slice3A_150 = vector.extract_strided_slice %broadcast_in_dim3A_125 {offsets = [3, 0, 0], sizes = [1, 1, 1], strides = [1, 1, 1]} : vector<4x1x1xi32> to vector<1x1x1xi32>
      %squeeze3A_151 = vector.shape_cast %slice3A_150 : vector<1x1x1xi32> to vector<1x1xi32>
      %concatenate3A_152 = tpu.concatenate %squeeze3A_145, %squeeze3A_147, %squeeze3A_149, %squeeze3A_151 in 1 : vector<1x1xi32>, vector<1x1xi32>, vector<1x1xi32>, vector<1x1xi32> -> vector<1x4xi32>
      %swap3A_153 = arith.index_cast %add3A_117 : i32 to index
      %swap3A_154 = arith.constant 0 : index
      %swap3A_155 = vector.load %arg4[%swap3A_153, %swap3A_154] : memref<2048x4xi32, #tpu.memory_space<vmem>>, vector<1x4xi32>
      tpu.vector_store %arg4[%swap3A_153, %swap3A_154], %concatenate3A_152 {strides = array<i32>} : memref<2048x4xi32, #tpu.memory_space<vmem>>, vector<1x4xi32>,
      %shift_right_arithmetic3A_156 = arith.constant 14 : i32
      %shift_right_arithmetic3A_157 = vector.broadcast %shift_right_arithmetic3A_156 : i32 to vector<4x1x1xi32>
      %shift_right_arithmetic3A_158 = arith.shrsi %broadcast_in_dim3A_125, %shift_right_arithmetic3A_157 : vector<4x1x1xi32>
      %shift_right_arithmetic3A_159 = arith.constant 7 : i32
      %shift_right_arithmetic3A_160 = vector.broadcast %shift_right_arithmetic3A_159 : i32 to vector<4x1x1xi32>
      %shift_right_arithmetic3A_161 = arith.shrsi %broadcast_in_dim3A_125, %shift_right_arithmetic3A_160 : vector<4x1x1xi32>
      %and3A_162 = arith.constant 127 : i32
      %and3A_163 = vector.broadcast %and3A_162 : i32 to vector<4x1x1xi32>
      %and3A_164 = arith.andi %shift_right_arithmetic3A_161, %and3A_163 : vector<4x1x1xi32>
      %and3A_165 = arith.constant 127 : i32
      %and3A_166 = vector.broadcast %and3A_165 : i32 to vector<4x1x1xi32>
      %and3A_167 = arith.andi %broadcast_in_dim3A_125, %and3A_166 : vector<4x1x1xi32>
      %mul3A_168 = arith.muli %shift_right_arithmetic3A_158, %shift_right_arithmetic3A_158 : vector<4x1x1xi32>
      %mul3A_169 = arith.muli %and3A_164, %and3A_164 : vector<4x1x1xi32>
      %add3A_170 = arith.addi %mul3A_168, %mul3A_169 : vector<4x1x1xi32>
      %mul3A_171 = arith.muli %and3A_167, %and3A_167 : vector<4x1x1xi32>
      %add3A_172 = arith.addi %add3A_170, %mul3A_171 : vector<4x1x1xi32>
      %mul3A_173 = vector.broadcast %shift_right_arithmetic3A_158 : vector<4x1x1xi32> to vector<4x64x128xi32>
      %mul3A_174 = arith.muli %get3A_2, %mul3A_173 : vector<4x64x128xi32>
      %mul3A_175 = vector.broadcast %and3A_164 : vector<4x1x1xi32> to vector<4x64x128xi32>
      %mul3A_176 = arith.muli %get3A_6, %mul3A_175 : vector<4x64x128xi32>
      %add3A_177 = arith.addi %mul3A_174, %mul3A_176 : vector<4x64x128xi32>
      %mul3A_178 = vector.broadcast %and3A_167 : vector<4x1x1xi32> to vector<4x64x128xi32>
      %mul3A_179 = arith.muli %get3A_10, %mul3A_178 : vector<4x64x128xi32>
      %add3A_180 = arith.addi %add3A_177, %mul3A_179 : vector<4x64x128xi32>
      %mul3A_181 = arith.constant 8192 : i32
      %mul3A_182 = vector.broadcast %mul3A_181 : i32 to vector<4x1x1xi32>
      %mul3A_183 = arith.muli %add3A_172, %mul3A_182 : vector<4x1x1xi32>
      %add3A_184 = vector.broadcast %mul3A_183 : vector<4x1x1xi32> to vector<4x64x128xi32>
      %add3A_185 = arith.addi %add3A_24, %add3A_184 : vector<4x64x128xi32>
      %mul3A_186 = arith.constant 16384 : i32
      %mul3A_187 = vector.broadcast %mul3A_186 : i32 to vector<4x64x128xi32>
      %mul3A_188 = arith.muli %add3A_180, %mul3A_187 : vector<4x64x128xi32>
      %sub3A_189 = arith.subi %add3A_185, %mul3A_188 : vector<4x64x128xi32>
      %min3A_190 = arith.minsi %min3A, %sub3A_189 : vector<4x64x128xi32>
      %reduce_max3A_191 = arith.constant dense<-2147483648> : vector<4xi32>
      %reduce_max3A_192 = vector.multi_reduction <maxsi>, %min3A_190, %reduce_max3A_191 [1, 2] : vector<4x64x128xi32> to vector<4xi32>
      %broadcast_in_dim3A_193 = vector.shape_cast %reduce_max3A_192 : vector<4xi32> to vector<4x1x1xi32>
      %mul3A_194 = arith.constant 16 : i32
      %mul3A_195 = arith.muli %scan3A_42, %mul3A_194 : i32
      %add3A_196 = arith.constant 2 : i32
      %add3A_197 = arith.addi %mul3A_195, %add3A_196 : i32
      %eq3A_198 = vector.broadcast %broadcast_in_dim3A_193 : vector<4x1x1xi32> to vector<4x64x128xi32>
      %eq3A_199 = arith.cmpi eq, %min3A_190, %eq3A_198 : vector<4x64x128xi32>
      %jit3A_200 = arith.constant 0 : i32
      %broadcast_in_dim3A_201 = vector.broadcast %jit3A_200 : i32 to vector<4x64x128xi32>
      %select_n3A_202 = arith.select %eq3A_199, %add3A_32, %broadcast_in_dim3A_201 : vector<4x64x128xi1>, vector<4x64x128xi32>
      %reduce_max3A_203 = arith.constant dense<-2147483648> : vector<4xi32>
      %reduce_max3A_204 = vector.multi_reduction <maxsi>, %select_n3A_202, %reduce_max3A_203 [1, 2] : vector<4x64x128xi32> to vector<4xi32>
      %broadcast_in_dim3A_205 = vector.shape_cast %reduce_max3A_204 : vector<4xi32> to vector<4x1x1xi32>
      %and3A_206 = arith.constant 8191 : i32
      %and3A_207 = vector.broadcast %and3A_206 : i32 to vector<4x1x1xi32>
      %and3A_208 = arith.andi %broadcast_in_dim3A_193, %and3A_207 : vector<4x1x1xi32>
      %sub3A_209 = arith.constant 8191 : i32
      %sub3A_210 = vector.broadcast %sub3A_209 : i32 to vector<4x1x1xi32>
      %sub3A_211 = arith.subi %sub3A_210, %and3A_208 : vector<4x1x1xi32>
      %slice3A_212 = vector.extract_strided_slice %sub3A_211 {offsets = [0, 0, 0], sizes = [1, 1, 1], strides = [1, 1, 1]} : vector<4x1x1xi32> to vector<1x1x1xi32>
      %squeeze3A_213 = vector.shape_cast %slice3A_212 : vector<1x1x1xi32> to vector<1x1xi32>
      %slice3A_214 = vector.extract_strided_slice %sub3A_211 {offsets = [1, 0, 0], sizes = [1, 1, 1], strides = [1, 1, 1]} : vector<4x1x1xi32> to vector<1x1x1xi32>
      %squeeze3A_215 = vector.shape_cast %slice3A_214 : vector<1x1x1xi32> to vector<1x1xi32>
      %slice3A_216 = vector.extract_strided_slice %sub3A_211 {offsets = [2, 0, 0], sizes = [1, 1, 1], strides = [1, 1, 1]} : vector<4x1x1xi32> to vector<1x1x1xi32>
      %squeeze3A_217 = vector.shape_cast %slice3A_216 : vector<1x1x1xi32> to vector<1x1xi32>
      %slice3A_218 = vector.extract_strided_slice %sub3A_211 {offsets = [3, 0, 0], sizes = [1, 1, 1], strides = [1, 1, 1]} : vector<4x1x1xi32> to vector<1x1x1xi32>
      %squeeze3A_219 = vector.shape_cast %slice3A_218 : vector<1x1x1xi32> to vector<1x1xi32>
      %concatenate3A_220 = tpu.concatenate %squeeze3A_213, %squeeze3A_215, %squeeze3A_217, %squeeze3A_219 in 1 : vector<1x1xi32>, vector<1x1xi32>, vector<1x1xi32>, vector<1x1xi32> -> vector<1x4xi32>
      %swap3A_221 = arith.index_cast %add3A_197 : i32 to index
      %swap3A_222 = arith.constant 0 : index
      %swap3A_223 = vector.load %arg3[%swap3A_221, %swap3A_222] : memref<2048x4xi32, #tpu.memory_space<vmem>>, vector<1x4xi32>
      tpu.vector_store %arg3[%swap3A_221, %swap3A_222], %concatenate3A_220 {strides = array<i32>} : memref<2048x4xi32, #tpu.memory_space<vmem>>, vector<1x4xi32>,
      %slice3A_224 = vector.extract_strided_slice %broadcast_in_dim3A_205 {offsets = [0, 0, 0], sizes = [1, 1, 1], strides = [1, 1, 1]} : vector<4x1x1xi32> to vector<1x1x1xi32>
      %squeeze3A_225 = vector.shape_cast %slice3A_224 : vector<1x1x1xi32> to vector<1x1xi32>
      %slice3A_226 = vector.extract_strided_slice %broadcast_in_dim3A_205 {offsets = [1, 0, 0], sizes = [1, 1, 1], strides = [1, 1, 1]} : vector<4x1x1xi32> to vector<1x1x1xi32>
      %squeeze3A_227 = vector.shape_cast %slice3A_226 : vector<1x1x1xi32> to vector<1x1xi32>
      %slice3A_228 = vector.extract_strided_slice %broadcast_in_dim3A_205 {offsets = [2, 0, 0], sizes = [1, 1, 1], strides = [1, 1, 1]} : vector<4x1x1xi32> to vector<1x1x1xi32>
      %squeeze3A_229 = vector.shape_cast %slice3A_228 : vector<1x1x1xi32> to vector<1x1xi32>
      %slice3A_230 = vector.extract_strided_slice %broadcast_in_dim3A_205 {offsets = [3, 0, 0], sizes = [1, 1, 1], strides = [1, 1, 1]} : vector<4x1x1xi32> to vector<1x1x1xi32>
      %squeeze3A_231 = vector.shape_cast %slice3A_230 : vector<1x1x1xi32> to vector<1x1xi32>
      %concatenate3A_232 = tpu.concatenate %squeeze3A_225, %squeeze3A_227, %squeeze3A_229, %squeeze3A_231 in 1 : vector<1x1xi32>, vector<1x1xi32>, vector<1x1xi32>, vector<1x1xi32> -> vector<1x4xi32>
      %swap3A_233 = arith.index_cast %add3A_197 : i32 to index
      %swap3A_234 = arith.constant 0 : index
      %swap3A_235 = vector.load %arg4[%swap3A_233, %swap3A_234] : memref<2048x4xi32, #tpu.memory_space<vmem>>, vector<1x4xi32>
      tpu.vector_store %arg4[%swap3A_233, %swap3A_234], %concatenate3A_232 {strides = array<i32>} : memref<2048x4xi32, #tpu.memory_space<vmem>>, vector<1x4xi32>,
      %shift_right_arithmetic3A_236 = arith.constant 14 : i32
      %shift_right_arithmetic3A_237 = vector.broadcast %shift_right_arithmetic3A_236 : i32 to vector<4x1x1xi32>
      %shift_right_arithmetic3A_238 = arith.shrsi %broadcast_in_dim3A_205, %shift_right_arithmetic3A_237 : vector<4x1x1xi32>
      %shift_right_arithmetic3A_239 = arith.constant 7 : i32
      %shift_right_arithmetic3A_240 = vector.broadcast %shift_right_arithmetic3A_239 : i32 to vector<4x1x1xi32>
      %shift_right_arithmetic3A_241 = arith.shrsi %broadcast_in_dim3A_205, %shift_right_arithmetic3A_240 : vector<4x1x1xi32>
      %and3A_242 = arith.constant 127 : i32
      %and3A_243 = vector.broadcast %and3A_242 : i32 to vector<4x1x1xi32>
      %and3A_244 = arith.andi %shift_right_arithmetic3A_241, %and3A_243 : vector<4x1x1xi32>
      %and3A_245 = arith.constant 127 : i32
      %and3A_246 = vector.broadcast %and3A_245 : i32 to vector<4x1x1xi32>
      %and3A_247 = arith.andi %broadcast_in_dim3A_205, %and3A_246 : vector<4x1x1xi32>
      %mul3A_248 = arith.muli %shift_right_arithmetic3A_238, %shift_right_arithmetic3A_238 : vector<4x1x1xi32>
      %mul3A_249 = arith.muli %and3A_244, %and3A_244 : vector<4x1x1xi32>
      %add3A_250 = arith.addi %mul3A_248, %mul3A_249 : vector<4x1x1xi32>
      %mul3A_251 = arith.muli %and3A_247, %and3A_247 : vector<4x1x1xi32>
      %add3A_252 = arith.addi %add3A_250, %mul3A_251 : vector<4x1x1xi32>
      %mul3A_253 = vector.broadcast %shift_right_arithmetic3A_238 : vector<4x1x1xi32> to vector<4x64x128xi32>
      %mul3A_254 = arith.muli %get3A_2, %mul3A_253 : vector<4x64x128xi32>
      %mul3A_255 = vector.broadcast %and3A_244 : vector<4x1x1xi32> to vector<4x64x128xi32>
      %mul3A_256 = arith.muli %get3A_6, %mul3A_255 : vector<4x64x128xi32>
      %add3A_257 = arith.addi %mul3A_254, %mul3A_256 : vector<4x64x128xi32>
      %mul3A_258 = vector.broadcast %and3A_247 : vector<4x1x1xi32> to vector<4x64x128xi32>
      %mul3A_259 = arith.muli %get3A_10, %mul3A_258 : vector<4x64x128xi32>
      %add3A_260 = arith.addi %add3A_257, %mul3A_259 : vector<4x64x128xi32>
      %mul3A_261 = arith.constant 8192 : i32
      %mul3A_262 = vector.broadcast %mul3A_261 : i32 to vector<4x1x1xi32>
      %mul3A_263 = arith.muli %add3A_252, %mul3A_262 : vector<4x1x1xi32>
      %add3A_264 = vector.broadcast %mul3A_263 : vector<4x1x1xi32> to vector<4x64x128xi32>
      %add3A_265 = arith.addi %add3A_24, %add3A_264 : vector<4x64x128xi32>
      %mul3A_266 = arith.constant 16384 : i32
      %mul3A_267 = vector.broadcast %mul3A_266 : i32 to vector<4x64x128xi32>
      %mul3A_268 = arith.muli %add3A_260, %mul3A_267 : vector<4x64x128xi32>
      %sub3A_269 = arith.subi %add3A_265, %mul3A_268 : vector<4x64x128xi32>
      %min3A_270 = arith.minsi %min3A_190, %sub3A_269 : vector<4x64x128xi32>
      %reduce_max3A_271 = arith.constant dense<-2147483648> : vector<4xi32>
      %reduce_max3A_272 = vector.multi_reduction <maxsi>, %min3A_270, %reduce_max3A_271 [1, 2] : vector<4x64x128xi32> to vector<4xi32>
      %broadcast_in_dim3A_273 = vector.shape_cast %reduce_max3A_272 : vector<4xi32> to vector<4x1x1xi32>
      %mul3A_274 = arith.constant 16 : i32
      %mul3A_275 = arith.muli %scan3A_42, %mul3A_274 : i32
      %add3A_276 = arith.constant 3 : i32
      %add3A_277 = arith.addi %mul3A_275, %add3A_276 : i32
      %eq3A_278 = vector.broadcast %broadcast_in_dim3A_273 : vector<4x1x1xi32> to vector<4x64x128xi32>
      %eq3A_279 = arith.cmpi eq, %min3A_270, %eq3A_278 : vector<4x64x128xi32>
      %jit3A_280 = arith.constant 0 : i32
      %broadcast_in_dim3A_281 = vector.broadcast %jit3A_280 : i32 to vector<4x64x128xi32>
      %select_n3A_282 = arith.select %eq3A_279, %add3A_32, %broadcast_in_dim3A_281 : vector<4x64x128xi1>, vector<4x64x128xi32>
      %reduce_max3A_283 = arith.constant dense<-2147483648> : vector<4xi32>
      %reduce_max3A_284 = vector.multi_reduction <maxsi>, %select_n3A_282, %reduce_max3A_283 [1, 2] : vector<4x64x128xi32> to vector<4xi32>
      %broadcast_in_dim3A_285 = vector.shape_cast %reduce_max3A_284 : vector<4xi32> to vector<4x1x1xi32>
      %and3A_286 = arith.constant 8191 : i32
      %and3A_287 = vector.broadcast %and3A_286 : i32 to vector<4x1x1xi32>
      %and3A_288 = arith.andi %broadcast_in_dim3A_273, %and3A_287 : vector<4x1x1xi32>
      %sub3A_289 = arith.constant 8191 : i32
      %sub3A_290 = vector.broadcast %sub3A_289 : i32 to vector<4x1x1xi32>
      %sub3A_291 = arith.subi %sub3A_290, %and3A_288 : vector<4x1x1xi32>
      %slice3A_292 = vector.extract_strided_slice %sub3A_291 {offsets = [0, 0, 0], sizes = [1, 1, 1], strides = [1, 1, 1]} : vector<4x1x1xi32> to vector<1x1x1xi32>
      %squeeze3A_293 = vector.shape_cast %slice3A_292 : vector<1x1x1xi32> to vector<1x1xi32>
      %slice3A_294 = vector.extract_strided_slice %sub3A_291 {offsets = [1, 0, 0], sizes = [1, 1, 1], strides = [1, 1, 1]} : vector<4x1x1xi32> to vector<1x1x1xi32>
      %squeeze3A_295 = vector.shape_cast %slice3A_294 : vector<1x1x1xi32> to vector<1x1xi32>
      %slice3A_296 = vector.extract_strided_slice %sub3A_291 {offsets = [2, 0, 0], sizes = [1, 1, 1], strides = [1, 1, 1]} : vector<4x1x1xi32> to vector<1x1x1xi32>
      %squeeze3A_297 = vector.shape_cast %slice3A_296 : vector<1x1x1xi32> to vector<1x1xi32>
      %slice3A_298 = vector.extract_strided_slice %sub3A_291 {offsets = [3, 0, 0], sizes = [1, 1, 1], strides = [1, 1, 1]} : vector<4x1x1xi32> to vector<1x1x1xi32>
      %squeeze3A_299 = vector.shape_cast %slice3A_298 : vector<1x1x1xi32> to vector<1x1xi32>
      %concatenate3A_300 = tpu.concatenate %squeeze3A_293, %squeeze3A_295, %squeeze3A_297, %squeeze3A_299 in 1 : vector<1x1xi32>, vector<1x1xi32>, vector<1x1xi32>, vector<1x1xi32> -> vector<1x4xi32>
      %swap3A_301 = arith.index_cast %add3A_277 : i32 to index
      %swap3A_302 = arith.constant 0 : index
      %swap3A_303 = vector.load %arg3[%swap3A_301, %swap3A_302] : memref<2048x4xi32, #tpu.memory_space<vmem>>, vector<1x4xi32>
      tpu.vector_store %arg3[%swap3A_301, %swap3A_302], %concatenate3A_300 {strides = array<i32>} : memref<2048x4xi32, #tpu.memory_space<vmem>>, vector<1x4xi32>,
      %slice3A_304 = vector.extract_strided_slice %broadcast_in_dim3A_285 {offsets = [0, 0, 0], sizes = [1, 1, 1], strides = [1, 1, 1]} : vector<4x1x1xi32> to vector<1x1x1xi32>
      %squeeze3A_305 = vector.shape_cast %slice3A_304 : vector<1x1x1xi32> to vector<1x1xi32>
      %slice3A_306 = vector.extract_strided_slice %broadcast_in_dim3A_285 {offsets = [1, 0, 0], sizes = [1, 1, 1], strides = [1, 1, 1]} : vector<4x1x1xi32> to vector<1x1x1xi32>
      %squeeze3A_307 = vector.shape_cast %slice3A_306 : vector<1x1x1xi32> to vector<1x1xi32>
      %slice3A_308 = vector.extract_strided_slice %broadcast_in_dim3A_285 {offsets = [2, 0, 0], sizes = [1, 1, 1], strides = [1, 1, 1]} : vector<4x1x1xi32> to vector<1x1x1xi32>
      %squeeze3A_309 = vector.shape_cast %slice3A_308 : vector<1x1x1xi32> to vector<1x1xi32>
      %slice3A_310 = vector.extract_strided_slice %broadcast_in_dim3A_285 {offsets = [3, 0, 0], sizes = [1, 1, 1], strides = [1, 1, 1]} : vector<4x1x1xi32> to vector<1x1x1xi32>
      %squeeze3A_311 = vector.shape_cast %slice3A_310 : vector<1x1x1xi32> to vector<1x1xi32>
      %concatenate3A_312 = tpu.concatenate %squeeze3A_305, %squeeze3A_307, %squeeze3A_309, %squeeze3A_311 in 1 : vector<1x1xi32>, vector<1x1xi32>, vector<1x1xi32>, vector<1x1xi32> -> vector<1x4xi32>
      %swap3A_313 = arith.index_cast %add3A_277 : i32 to index
      %swap3A_314 = arith.constant 0 : index
      %swap3A_315 = vector.load %arg4[%swap3A_313, %swap3A_314] : memref<2048x4xi32, #tpu.memory_space<vmem>>, vector<1x4xi32>
      tpu.vector_store %arg4[%swap3A_313, %swap3A_314], %concatenate3A_312 {strides = array<i32>} : memref<2048x4xi32, #tpu.memory_space<vmem>>, vector<1x4xi32>,
      %shift_right_arithmetic3A_316 = arith.constant 14 : i32
      %shift_right_arithmetic3A_317 = vector.broadcast %shift_right_arithmetic3A_316 : i32 to vector<4x1x1xi32>
      %shift_right_arithmetic3A_318 = arith.shrsi %broadcast_in_dim3A_285, %shift_right_arithmetic3A_317 : vector<4x1x1xi32>
      %shift_right_arithmetic3A_319 = arith.constant 7 : i32
      %shift_right_arithmetic3A_320 = vector.broadcast %shift_right_arithmetic3A_319 : i32 to vector<4x1x1xi32>
      %shift_right_arithmetic3A_321 = arith.shrsi %broadcast_in_dim3A_285, %shift_right_arithmetic3A_320 : vector<4x1x1xi32>
      %and3A_322 = arith.constant 127 : i32
      %and3A_323 = vector.broadcast %and3A_322 : i32 to vector<4x1x1xi32>
      %and3A_324 = arith.andi %shift_right_arithmetic3A_321, %and3A_323 : vector<4x1x1xi32>
      %and3A_325 = arith.constant 127 : i32
      %and3A_326 = vector.broadcast %and3A_325 : i32 to vector<4x1x1xi32>
      %and3A_327 = arith.andi %broadcast_in_dim3A_285, %and3A_326 : vector<4x1x1xi32>
      %mul3A_328 = arith.muli %shift_right_arithmetic3A_318, %shift_right_arithmetic3A_318 : vector<4x1x1xi32>
      %mul3A_329 = arith.muli %and3A_324, %and3A_324 : vector<4x1x1xi32>
      %add3A_330 = arith.addi %mul3A_328, %mul3A_329 : vector<4x1x1xi32>
      %mul3A_331 = arith.muli %and3A_327, %and3A_327 : vector<4x1x1xi32>
      %add3A_332 = arith.addi %add3A_330, %mul3A_331 : vector<4x1x1xi32>
      %mul3A_333 = vector.broadcast %shift_right_arithmetic3A_318 : vector<4x1x1xi32> to vector<4x64x128xi32>
      %mul3A_334 = arith.muli %get3A_2, %mul3A_333 : vector<4x64x128xi32>
      %mul3A_335 = vector.broadcast %and3A_324 : vector<4x1x1xi32> to vector<4x64x128xi32>
      %mul3A_336 = arith.muli %get3A_6, %mul3A_335 : vector<4x64x128xi32>
      %add3A_337 = arith.addi %mul3A_334, %mul3A_336 : vector<4x64x128xi32>
      %mul3A_338 = vector.broadcast %and3A_327 : vector<4x1x1xi32> to vector<4x64x128xi32>
      %mul3A_339 = arith.muli %get3A_10, %mul3A_338 : vector<4x64x128xi32>
      %add3A_340 = arith.addi %add3A_337, %mul3A_339 : vector<4x64x128xi32>
      %mul3A_341 = arith.constant 8192 : i32
      %mul3A_342 = vector.broadcast %mul3A_341 : i32 to vector<4x1x1xi32>
      %mul3A_343 = arith.muli %add3A_332, %mul3A_342 : vector<4x1x1xi32>
      %add3A_344 = vector.broadcast %mul3A_343 : vector<4x1x1xi32> to vector<4x64x128xi32>
      %add3A_345 = arith.addi %add3A_24, %add3A_344 : vector<4x64x128xi32>
      %mul3A_346 = arith.constant 16384 : i32
      %mul3A_347 = vector.broadcast %mul3A_346 : i32 to vector<4x64x128xi32>
      %mul3A_348 = arith.muli %add3A_340, %mul3A_347 : vector<4x64x128xi32>
      %sub3A_349 = arith.subi %add3A_345, %mul3A_348 : vector<4x64x128xi32>
      %min3A_350 = arith.minsi %min3A_270, %sub3A_349 : vector<4x64x128xi32>
      %reduce_max3A_351 = arith.constant dense<-2147483648> : vector<4xi32>
      %reduce_max3A_352 = vector.multi_reduction <maxsi>, %min3A_350, %reduce_max3A_351 [1, 2] : vector<4x64x128xi32> to vector<4xi32>
      %broadcast_in_dim3A_353 = vector.shape_cast %reduce_max3A_352 : vector<4xi32> to vector<4x1x1xi32>
      %mul3A_354 = arith.constant 16 : i32
      %mul3A_355 = arith.muli %scan3A_42, %mul3A_354 : i32
      %add3A_356 = arith.constant 4 : i32
      %add3A_357 = arith.addi %mul3A_355, %add3A_356 : i32
      %eq3A_358 = vector.broadcast %broadcast_in_dim3A_353 : vector<4x1x1xi32> to vector<4x64x128xi32>
      %eq3A_359 = arith.cmpi eq, %min3A_350, %eq3A_358 : vector<4x64x128xi32>
      %jit3A_360 = arith.constant 0 : i32
      %broadcast_in_dim3A_361 = vector.broadcast %jit3A_360 : i32 to vector<4x64x128xi32>
      %select_n3A_362 = arith.select %eq3A_359, %add3A_32, %broadcast_in_dim3A_361 : vector<4x64x128xi1>, vector<4x64x128xi32>
      %reduce_max3A_363 = arith.constant dense<-2147483648> : vector<4xi32>
      %reduce_max3A_364 = vector.multi_reduction <maxsi>, %select_n3A_362, %reduce_max3A_363 [1, 2] : vector<4x64x128xi32> to vector<4xi32>
      %broadcast_in_dim3A_365 = vector.shape_cast %reduce_max3A_364 : vector<4xi32> to vector<4x1x1xi32>
      %and3A_366 = arith.constant 8191 : i32
      %and3A_367 = vector.broadcast %and3A_366 : i32 to vector<4x1x1xi32>
      %and3A_368 = arith.andi %broadcast_in_dim3A_353, %and3A_367 : vector<4x1x1xi32>
      %sub3A_369 = arith.constant 8191 : i32
      %sub3A_370 = vector.broadcast %sub3A_369 : i32 to vector<4x1x1xi32>
      %sub3A_371 = arith.subi %sub3A_370, %and3A_368 : vector<4x1x1xi32>
      %slice3A_372 = vector.extract_strided_slice %sub3A_371 {offsets = [0, 0, 0], sizes = [1, 1, 1], strides = [1, 1, 1]} : vector<4x1x1xi32> to vector<1x1x1xi32>
      %squeeze3A_373 = vector.shape_cast %slice3A_372 : vector<1x1x1xi32> to vector<1x1xi32>
      %slice3A_374 = vector.extract_strided_slice %sub3A_371 {offsets = [1, 0, 0], sizes = [1, 1, 1], strides = [1, 1, 1]} : vector<4x1x1xi32> to vector<1x1x1xi32>
      %squeeze3A_375 = vector.shape_cast %slice3A_374 : vector<1x1x1xi32> to vector<1x1xi32>
      %slice3A_376 = vector.extract_strided_slice %sub3A_371 {offsets = [2, 0, 0], sizes = [1, 1, 1], strides = [1, 1, 1]} : vector<4x1x1xi32> to vector<1x1x1xi32>
      %squeeze3A_377 = vector.shape_cast %slice3A_376 : vector<1x1x1xi32> to vector<1x1xi32>
      %slice3A_378 = vector.extract_strided_slice %sub3A_371 {offsets = [3, 0, 0], sizes = [1, 1, 1], strides = [1, 1, 1]} : vector<4x1x1xi32> to vector<1x1x1xi32>
      %squeeze3A_379 = vector.shape_cast %slice3A_378 : vector<1x1x1xi32> to vector<1x1xi32>
      %concatenate3A_380 = tpu.concatenate %squeeze3A_373, %squeeze3A_375, %squeeze3A_377, %squeeze3A_379 in 1 : vector<1x1xi32>, vector<1x1xi32>, vector<1x1xi32>, vector<1x1xi32> -> vector<1x4xi32>
      %swap3A_381 = arith.index_cast %add3A_357 : i32 to index
      %swap3A_382 = arith.constant 0 : index
      %swap3A_383 = vector.load %arg3[%swap3A_381, %swap3A_382] : memref<2048x4xi32, #tpu.memory_space<vmem>>, vector<1x4xi32>
      tpu.vector_store %arg3[%swap3A_381, %swap3A_382], %concatenate3A_380 {strides = array<i32>} : memref<2048x4xi32, #tpu.memory_space<vmem>>, vector<1x4xi32>,
      %slice3A_384 = vector.extract_strided_slice %broadcast_in_dim3A_365 {offsets = [0, 0, 0], sizes = [1, 1, 1], strides = [1, 1, 1]} : vector<4x1x1xi32> to vector<1x1x1xi32>
      %squeeze3A_385 = vector.shape_cast %slice3A_384 : vector<1x1x1xi32> to vector<1x1xi32>
      %slice3A_386 = vector.extract_strided_slice %broadcast_in_dim3A_365 {offsets = [1, 0, 0], sizes = [1, 1, 1], strides = [1, 1, 1]} : vector<4x1x1xi32> to vector<1x1x1xi32>
      %squeeze3A_387 = vector.shape_cast %slice3A_386 : vector<1x1x1xi32> to vector<1x1xi32>
      %slice3A_388 = vector.extract_strided_slice %broadcast_in_dim3A_365 {offsets = [2, 0, 0], sizes = [1, 1, 1], strides = [1, 1, 1]} : vector<4x1x1xi32> to vector<1x1x1xi32>
      %squeeze3A_389 = vector.shape_cast %slice3A_388 : vector<1x1x1xi32> to vector<1x1xi32>
      %slice3A_390 = vector.extract_strided_slice %broadcast_in_dim3A_365 {offsets = [3, 0, 0], sizes = [1, 1, 1], strides = [1, 1, 1]} : vector<4x1x1xi32> to vector<1x1x1xi32>
      %squeeze3A_391 = vector.shape_cast %slice3A_390 : vector<1x1x1xi32> to vector<1x1xi32>
      %concatenate3A_392 = tpu.concatenate %squeeze3A_385, %squeeze3A_387, %squeeze3A_389, %squeeze3A_391 in 1 : vector<1x1xi32>, vector<1x1xi32>, vector<1x1xi32>, vector<1x1xi32> -> vector<1x4xi32>
      %swap3A_393 = arith.index_cast %add3A_357 : i32 to index
      %swap3A_394 = arith.constant 0 : index
      %swap3A_395 = vector.load %arg4[%swap3A_393, %swap3A_394] : memref<2048x4xi32, #tpu.memory_space<vmem>>, vector<1x4xi32>
      tpu.vector_store %arg4[%swap3A_393, %swap3A_394], %concatenate3A_392 {strides = array<i32>} : memref<2048x4xi32, #tpu.memory_space<vmem>>, vector<1x4xi32>,
      %shift_right_arithmetic3A_396 = arith.constant 14 : i32
      %shift_right_arithmetic3A_397 = vector.broadcast %shift_right_arithmetic3A_396 : i32 to vector<4x1x1xi32>
      %shift_right_arithmetic3A_398 = arith.shrsi %broadcast_in_dim3A_365, %shift_right_arithmetic3A_397 : vector<4x1x1xi32>
      %shift_right_arithmetic3A_399 = arith.constant 7 : i32
      %shift_right_arithmetic3A_400 = vector.broadcast %shift_right_arithmetic3A_399 : i32 to vector<4x1x1xi32>
      %shift_right_arithmetic3A_401 = arith.shrsi %broadcast_in_dim3A_365, %shift_right_arithmetic3A_400 : vector<4x1x1xi32>
      %and3A_402 = arith.constant 127 : i32
      %and3A_403 = vector.broadcast %and3A_402 : i32 to vector<4x1x1xi32>
      %and3A_404 = arith.andi %shift_right_arithmetic3A_401, %and3A_403 : vector<4x1x1xi32>
      %and3A_405 = arith.constant 127 : i32
      %and3A_406 = vector.broadcast %and3A_405 : i32 to vector<4x1x1xi32>
      %and3A_407 = arith.andi %broadcast_in_dim3A_365, %and3A_406 : vector<4x1x1xi32>
      %mul3A_408 = arith.muli %shift_right_arithmetic3A_398, %shift_right_arithmetic3A_398 : vector<4x1x1xi32>
      %mul3A_409 = arith.muli %and3A_404, %and3A_404 : vector<4x1x1xi32>
      %add3A_410 = arith.addi %mul3A_408, %mul3A_409 : vector<4x1x1xi32>
      %mul3A_411 = arith.muli %and3A_407, %and3A_407 : vector<4x1x1xi32>
      %add3A_412 = arith.addi %add3A_410, %mul3A_411 : vector<4x1x1xi32>
      %mul3A_413 = vector.broadcast %shift_right_arithmetic3A_398 : vector<4x1x1xi32> to vector<4x64x128xi32>
      %mul3A_414 = arith.muli %get3A_2, %mul3A_413 : vector<4x64x128xi32>
      %mul3A_415 = vector.broadcast %and3A_404 : vector<4x1x1xi32> to vector<4x64x128xi32>
      %mul3A_416 = arith.muli %get3A_6, %mul3A_415 : vector<4x64x128xi32>
      %add3A_417 = arith.addi %mul3A_414, %mul3A_416 : vector<4x64x128xi32>
      %mul3A_418 = vector.broadcast %and3A_407 : vector<4x1x1xi32> to vector<4x64x128xi32>
      %mul3A_419 = arith.muli %get3A_10, %mul3A_418 : vector<4x64x128xi32>
      %add3A_420 = arith.addi %add3A_417, %mul3A_419 : vector<4x64x128xi32>
      %mul3A_421 = arith.constant 8192 : i32
      %mul3A_422 = vector.broadcast %mul3A_421 : i32 to vector<4x1x1xi32>
      %mul3A_423 = arith.muli %add3A_412, %mul3A_422 : vector<4x1x1xi32>
      %add3A_424 = vector.broadcast %mul3A_423 : vector<4x1x1xi32> to vector<4x64x128xi32>
      %add3A_425 = arith.addi %add3A_24, %add3A_424 : vector<4x64x128xi32>
      %mul3A_426 = arith.constant 16384 : i32
      %mul3A_427 = vector.broadcast %mul3A_426 : i32 to vector<4x64x128xi32>
      %mul3A_428 = arith.muli %add3A_420, %mul3A_427 : vector<4x64x128xi32>
      %sub3A_429 = arith.subi %add3A_425, %mul3A_428 : vector<4x64x128xi32>
      %min3A_430 = arith.minsi %min3A_350, %sub3A_429 : vector<4x64x128xi32>
      %reduce_max3A_431 = arith.constant dense<-2147483648> : vector<4xi32>
      %reduce_max3A_432 = vector.multi_reduction <maxsi>, %min3A_430, %reduce_max3A_431 [1, 2] : vector<4x64x128xi32> to vector<4xi32>
      %broadcast_in_dim3A_433 = vector.shape_cast %reduce_max3A_432 : vector<4xi32> to vector<4x1x1xi32>
      %mul3A_434 = arith.constant 16 : i32
      %mul3A_435 = arith.muli %scan3A_42, %mul3A_434 : i32
      %add3A_436 = arith.constant 5 : i32
      %add3A_437 = arith.addi %mul3A_435, %add3A_436 : i32
      %eq3A_438 = vector.broadcast %broadcast_in_dim3A_433 : vector<4x1x1xi32> to vector<4x64x128xi32>
      %eq3A_439 = arith.cmpi eq, %min3A_430, %eq3A_438 : vector<4x64x128xi32>
      %jit3A_440 = arith.constant 0 : i32
      %broadcast_in_dim3A_441 = vector.broadcast %jit3A_440 : i32 to vector<4x64x128xi32>
      %select_n3A_442 = arith.select %eq3A_439, %add3A_32, %broadcast_in_dim3A_441 : vector<4x64x128xi1>, vector<4x64x128xi32>
      %reduce_max3A_443 = arith.constant dense<-2147483648> : vector<4xi32>
      %reduce_max3A_444 = vector.multi_reduction <maxsi>, %select_n3A_442, %reduce_max3A_443 [1, 2] : vector<4x64x128xi32> to vector<4xi32>
      %broadcast_in_dim3A_445 = vector.shape_cast %reduce_max3A_444 : vector<4xi32> to vector<4x1x1xi32>
      %and3A_446 = arith.constant 8191 : i32
      %and3A_447 = vector.broadcast %and3A_446 : i32 to vector<4x1x1xi32>
      %and3A_448 = arith.andi %broadcast_in_dim3A_433, %and3A_447 : vector<4x1x1xi32>
      %sub3A_449 = arith.constant 8191 : i32
      %sub3A_450 = vector.broadcast %sub3A_449 : i32 to vector<4x1x1xi32>
      %sub3A_451 = arith.subi %sub3A_450, %and3A_448 : vector<4x1x1xi32>
      %slice3A_452 = vector.extract_strided_slice %sub3A_451 {offsets = [0, 0, 0], sizes = [1, 1, 1], strides = [1, 1, 1]} : vector<4x1x1xi32> to vector<1x1x1xi32>
      %squeeze3A_453 = vector.shape_cast %slice3A_452 : vector<1x1x1xi32> to vector<1x1xi32>
      %slice3A_454 = vector.extract_strided_slice %sub3A_451 {offsets = [1, 0, 0], sizes = [1, 1, 1], strides = [1, 1, 1]} : vector<4x1x1xi32> to vector<1x1x1xi32>
      %squeeze3A_455 = vector.shape_cast %slice3A_454 : vector<1x1x1xi32> to vector<1x1xi32>
      %slice3A_456 = vector.extract_strided_slice %sub3A_451 {offsets = [2, 0, 0], sizes = [1, 1, 1], strides = [1, 1, 1]} : vector<4x1x1xi32> to vector<1x1x1xi32>
      %squeeze3A_457 = vector.shape_cast %slice3A_456 : vector<1x1x1xi32> to vector<1x1xi32>
      %slice3A_458 = vector.extract_strided_slice %sub3A_451 {offsets = [3, 0, 0], sizes = [1, 1, 1], strides = [1, 1, 1]} : vector<4x1x1xi32> to vector<1x1x1xi32>
      %squeeze3A_459 = vector.shape_cast %slice3A_458 : vector<1x1x1xi32> to vector<1x1xi32>
      %concatenate3A_460 = tpu.concatenate %squeeze3A_453, %squeeze3A_455, %squeeze3A_457, %squeeze3A_459 in 1 : vector<1x1xi32>, vector<1x1xi32>, vector<1x1xi32>, vector<1x1xi32> -> vector<1x4xi32>
      %swap3A_461 = arith.index_cast %add3A_437 : i32 to index
      %swap3A_462 = arith.constant 0 : index
      %swap3A_463 = vector.load %arg3[%swap3A_461, %swap3A_462] : memref<2048x4xi32, #tpu.memory_space<vmem>>, vector<1x4xi32>
      tpu.vector_store %arg3[%swap3A_461, %swap3A_462], %concatenate3A_460 {strides = array<i32>} : memref<2048x4xi32, #tpu.memory_space<vmem>>, vector<1x4xi32>,
      %slice3A_464 = vector.extract_strided_slice %broadcast_in_dim3A_445 {offsets = [0, 0, 0], sizes = [1, 1, 1], strides = [1, 1, 1]} : vector<4x1x1xi32> to vector<1x1x1xi32>
      %squeeze3A_465 = vector.shape_cast %slice3A_464 : vector<1x1x1xi32> to vector<1x1xi32>
      %slice3A_466 = vector.extract_strided_slice %broadcast_in_dim3A_445 {offsets = [1, 0, 0], sizes = [1, 1, 1], strides = [1, 1, 1]} : vector<4x1x1xi32> to vector<1x1x1xi32>
      %squeeze3A_467 = vector.shape_cast %slice3A_466 : vector<1x1x1xi32> to vector<1x1xi32>
      %slice3A_468 = vector.extract_strided_slice %broadcast_in_dim3A_445 {offsets = [2, 0, 0], sizes = [1, 1, 1], strides = [1, 1, 1]} : vector<4x1x1xi32> to vector<1x1x1xi32>
      %squeeze3A_469 = vector.shape_cast %slice3A_468 : vector<1x1x1xi32> to vector<1x1xi32>
      %slice3A_470 = vector.extract_strided_slice %broadcast_in_dim3A_445 {offsets = [3, 0, 0], sizes = [1, 1, 1], strides = [1, 1, 1]} : vector<4x1x1xi32> to vector<1x1x1xi32>
      %squeeze3A_471 = vector.shape_cast %slice3A_470 : vector<1x1x1xi32> to vector<1x1xi32>
      %concatenate3A_472 = tpu.concatenate %squeeze3A_465, %squeeze3A_467, %squeeze3A_469, %squeeze3A_471 in 1 : vector<1x1xi32>, vector<1x1xi32>, vector<1x1xi32>, vector<1x1xi32> -> vector<1x4xi32>
      %swap3A_473 = arith.index_cast %add3A_437 : i32 to index
      %swap3A_474 = arith.constant 0 : index
      %swap3A_475 = vector.load %arg4[%swap3A_473, %swap3A_474] : memref<2048x4xi32, #tpu.memory_space<vmem>>, vector<1x4xi32>
      tpu.vector_store %arg4[%swap3A_473, %swap3A_474], %concatenate3A_472 {strides = array<i32>} : memref<2048x4xi32, #tpu.memory_space<vmem>>, vector<1x4xi32>,
      %shift_right_arithmetic3A_476 = arith.constant 14 : i32
      %shift_right_arithmetic3A_477 = vector.broadcast %shift_right_arithmetic3A_476 : i32 to vector<4x1x1xi32>
      %shift_right_arithmetic3A_478 = arith.shrsi %broadcast_in_dim3A_445, %shift_right_arithmetic3A_477 : vector<4x1x1xi32>
      %shift_right_arithmetic3A_479 = arith.constant 7 : i32
      %shift_right_arithmetic3A_480 = vector.broadcast %shift_right_arithmetic3A_479 : i32 to vector<4x1x1xi32>
      %shift_right_arithmetic3A_481 = arith.shrsi %broadcast_in_dim3A_445, %shift_right_arithmetic3A_480 : vector<4x1x1xi32>
      %and3A_482 = arith.constant 127 : i32
      %and3A_483 = vector.broadcast %and3A_482 : i32 to vector<4x1x1xi32>
      %and3A_484 = arith.andi %shift_right_arithmetic3A_481, %and3A_483 : vector<4x1x1xi32>
      %and3A_485 = arith.constant 127 : i32
      %and3A_486 = vector.broadcast %and3A_485 : i32 to vector<4x1x1xi32>
      %and3A_487 = arith.andi %broadcast_in_dim3A_445, %and3A_486 : vector<4x1x1xi32>
      %mul3A_488 = arith.muli %shift_right_arithmetic3A_478, %shift_right_arithmetic3A_478 : vector<4x1x1xi32>
      %mul3A_489 = arith.muli %and3A_484, %and3A_484 : vector<4x1x1xi32>
      %add3A_490 = arith.addi %mul3A_488, %mul3A_489 : vector<4x1x1xi32>
      %mul3A_491 = arith.muli %and3A_487, %and3A_487 : vector<4x1x1xi32>
      %add3A_492 = arith.addi %add3A_490, %mul3A_491 : vector<4x1x1xi32>
      %mul3A_493 = vector.broadcast %shift_right_arithmetic3A_478 : vector<4x1x1xi32> to vector<4x64x128xi32>
      %mul3A_494 = arith.muli %get3A_2, %mul3A_493 : vector<4x64x128xi32>
      %mul3A_495 = vector.broadcast %and3A_484 : vector<4x1x1xi32> to vector<4x64x128xi32>
      %mul3A_496 = arith.muli %get3A_6, %mul3A_495 : vector<4x64x128xi32>
      %add3A_497 = arith.addi %mul3A_494, %mul3A_496 : vector<4x64x128xi32>
      %mul3A_498 = vector.broadcast %and3A_487 : vector<4x1x1xi32> to vector<4x64x128xi32>
      %mul3A_499 = arith.muli %get3A_10, %mul3A_498 : vector<4x64x128xi32>
      %add3A_500 = arith.addi %add3A_497, %mul3A_499 : vector<4x64x128xi32>
      %mul3A_501 = arith.constant 8192 : i32
      %mul3A_502 = vector.broadcast %mul3A_501 : i32 to vector<4x1x1xi32>
      %mul3A_503 = arith.muli %add3A_492, %mul3A_502 : vector<4x1x1xi32>
      %add3A_504 = vector.broadcast %mul3A_503 : vector<4x1x1xi32> to vector<4x64x128xi32>
      %add3A_505 = arith.addi %add3A_24, %add3A_504 : vector<4x64x128xi32>
      %mul3A_506 = arith.constant 16384 : i32
      %mul3A_507 = vector.broadcast %mul3A_506 : i32 to vector<4x64x128xi32>
      %mul3A_508 = arith.muli %add3A_500, %mul3A_507 : vector<4x64x128xi32>
      %sub3A_509 = arith.subi %add3A_505, %mul3A_508 : vector<4x64x128xi32>
      %min3A_510 = arith.minsi %min3A_430, %sub3A_509 : vector<4x64x128xi32>
      %reduce_max3A_511 = arith.constant dense<-2147483648> : vector<4xi32>
      %reduce_max3A_512 = vector.multi_reduction <maxsi>, %min3A_510, %reduce_max3A_511 [1, 2] : vector<4x64x128xi32> to vector<4xi32>
      %broadcast_in_dim3A_513 = vector.shape_cast %reduce_max3A_512 : vector<4xi32> to vector<4x1x1xi32>
      %mul3A_514 = arith.constant 16 : i32
      %mul3A_515 = arith.muli %scan3A_42, %mul3A_514 : i32
      %add3A_516 = arith.constant 6 : i32
      %add3A_517 = arith.addi %mul3A_515, %add3A_516 : i32
      %eq3A_518 = vector.broadcast %broadcast_in_dim3A_513 : vector<4x1x1xi32> to vector<4x64x128xi32>
      %eq3A_519 = arith.cmpi eq, %min3A_510, %eq3A_518 : vector<4x64x128xi32>
      %jit3A_520 = arith.constant 0 : i32
      %broadcast_in_dim3A_521 = vector.broadcast %jit3A_520 : i32 to vector<4x64x128xi32>
      %select_n3A_522 = arith.select %eq3A_519, %add3A_32, %broadcast_in_dim3A_521 : vector<4x64x128xi1>, vector<4x64x128xi32>
      %reduce_max3A_523 = arith.constant dense<-2147483648> : vector<4xi32>
      %reduce_max3A_524 = vector.multi_reduction <maxsi>, %select_n3A_522, %reduce_max3A_523 [1, 2] : vector<4x64x128xi32> to vector<4xi32>
      %broadcast_in_dim3A_525 = vector.shape_cast %reduce_max3A_524 : vector<4xi32> to vector<4x1x1xi32>
      %and3A_526 = arith.constant 8191 : i32
      %and3A_527 = vector.broadcast %and3A_526 : i32 to vector<4x1x1xi32>
      %and3A_528 = arith.andi %broadcast_in_dim3A_513, %and3A_527 : vector<4x1x1xi32>
      %sub3A_529 = arith.constant 8191 : i32
      %sub3A_530 = vector.broadcast %sub3A_529 : i32 to vector<4x1x1xi32>
      %sub3A_531 = arith.subi %sub3A_530, %and3A_528 : vector<4x1x1xi32>
      %slice3A_532 = vector.extract_strided_slice %sub3A_531 {offsets = [0, 0, 0], sizes = [1, 1, 1], strides = [1, 1, 1]} : vector<4x1x1xi32> to vector<1x1x1xi32>
      %squeeze3A_533 = vector.shape_cast %slice3A_532 : vector<1x1x1xi32> to vector<1x1xi32>
      %slice3A_534 = vector.extract_strided_slice %sub3A_531 {offsets = [1, 0, 0], sizes = [1, 1, 1], strides = [1, 1, 1]} : vector<4x1x1xi32> to vector<1x1x1xi32>
      %squeeze3A_535 = vector.shape_cast %slice3A_534 : vector<1x1x1xi32> to vector<1x1xi32>
      %slice3A_536 = vector.extract_strided_slice %sub3A_531 {offsets = [2, 0, 0], sizes = [1, 1, 1], strides = [1, 1, 1]} : vector<4x1x1xi32> to vector<1x1x1xi32>
      %squeeze3A_537 = vector.shape_cast %slice3A_536 : vector<1x1x1xi32> to vector<1x1xi32>
      %slice3A_538 = vector.extract_strided_slice %sub3A_531 {offsets = [3, 0, 0], sizes = [1, 1, 1], strides = [1, 1, 1]} : vector<4x1x1xi32> to vector<1x1x1xi32>
      %squeeze3A_539 = vector.shape_cast %slice3A_538 : vector<1x1x1xi32> to vector<1x1xi32>
      %concatenate3A_540 = tpu.concatenate %squeeze3A_533, %squeeze3A_535, %squeeze3A_537, %squeeze3A_539 in 1 : vector<1x1xi32>, vector<1x1xi32>, vector<1x1xi32>, vector<1x1xi32> -> vector<1x4xi32>
      %swap3A_541 = arith.index_cast %add3A_517 : i32 to index
      %swap3A_542 = arith.constant 0 : index
      %swap3A_543 = vector.load %arg3[%swap3A_541, %swap3A_542] : memref<2048x4xi32, #tpu.memory_space<vmem>>, vector<1x4xi32>
      tpu.vector_store %arg3[%swap3A_541, %swap3A_542], %concatenate3A_540 {strides = array<i32>} : memref<2048x4xi32, #tpu.memory_space<vmem>>, vector<1x4xi32>,
      %slice3A_544 = vector.extract_strided_slice %broadcast_in_dim3A_525 {offsets = [0, 0, 0], sizes = [1, 1, 1], strides = [1, 1, 1]} : vector<4x1x1xi32> to vector<1x1x1xi32>
      %squeeze3A_545 = vector.shape_cast %slice3A_544 : vector<1x1x1xi32> to vector<1x1xi32>
      %slice3A_546 = vector.extract_strided_slice %broadcast_in_dim3A_525 {offsets = [1, 0, 0], sizes = [1, 1, 1], strides = [1, 1, 1]} : vector<4x1x1xi32> to vector<1x1x1xi32>
      %squeeze3A_547 = vector.shape_cast %slice3A_546 : vector<1x1x1xi32> to vector<1x1xi32>
      %slice3A_548 = vector.extract_strided_slice %broadcast_in_dim3A_525 {offsets = [2, 0, 0], sizes = [1, 1, 1], strides = [1, 1, 1]} : vector<4x1x1xi32> to vector<1x1x1xi32>
      %squeeze3A_549 = vector.shape_cast %slice3A_548 : vector<1x1x1xi32> to vector<1x1xi32>
      %slice3A_550 = vector.extract_strided_slice %broadcast_in_dim3A_525 {offsets = [3, 0, 0], sizes = [1, 1, 1], strides = [1, 1, 1]} : vector<4x1x1xi32> to vector<1x1x1xi32>
      %squeeze3A_551 = vector.shape_cast %slice3A_550 : vector<1x1x1xi32> to vector<1x1xi32>
      %concatenate3A_552 = tpu.concatenate %squeeze3A_545, %squeeze3A_547, %squeeze3A_549, %squeeze3A_551 in 1 : vector<1x1xi32>, vector<1x1xi32>, vector<1x1xi32>, vector<1x1xi32> -> vector<1x4xi32>
      %swap3A_553 = arith.index_cast %add3A_517 : i32 to index
      %swap3A_554 = arith.constant 0 : index
      %swap3A_555 = vector.load %arg4[%swap3A_553, %swap3A_554] : memref<2048x4xi32, #tpu.memory_space<vmem>>, vector<1x4xi32>
      tpu.vector_store %arg4[%swap3A_553, %swap3A_554], %concatenate3A_552 {strides = array<i32>} : memref<2048x4xi32, #tpu.memory_space<vmem>>, vector<1x4xi32>,
      %shift_right_arithmetic3A_556 = arith.constant 14 : i32
      %shift_right_arithmetic3A_557 = vector.broadcast %shift_right_arithmetic3A_556 : i32 to vector<4x1x1xi32>
      %shift_right_arithmetic3A_558 = arith.shrsi %broadcast_in_dim3A_525, %shift_right_arithmetic3A_557 : vector<4x1x1xi32>
      %shift_right_arithmetic3A_559 = arith.constant 7 : i32
      %shift_right_arithmetic3A_560 = vector.broadcast %shift_right_arithmetic3A_559 : i32 to vector<4x1x1xi32>
      %shift_right_arithmetic3A_561 = arith.shrsi %broadcast_in_dim3A_525, %shift_right_arithmetic3A_560 : vector<4x1x1xi32>
      %and3A_562 = arith.constant 127 : i32
      %and3A_563 = vector.broadcast %and3A_562 : i32 to vector<4x1x1xi32>
      %and3A_564 = arith.andi %shift_right_arithmetic3A_561, %and3A_563 : vector<4x1x1xi32>
      %and3A_565 = arith.constant 127 : i32
      %and3A_566 = vector.broadcast %and3A_565 : i32 to vector<4x1x1xi32>
      %and3A_567 = arith.andi %broadcast_in_dim3A_525, %and3A_566 : vector<4x1x1xi32>
      %mul3A_568 = arith.muli %shift_right_arithmetic3A_558, %shift_right_arithmetic3A_558 : vector<4x1x1xi32>
      %mul3A_569 = arith.muli %and3A_564, %and3A_564 : vector<4x1x1xi32>
      %add3A_570 = arith.addi %mul3A_568, %mul3A_569 : vector<4x1x1xi32>
      %mul3A_571 = arith.muli %and3A_567, %and3A_567 : vector<4x1x1xi32>
      %add3A_572 = arith.addi %add3A_570, %mul3A_571 : vector<4x1x1xi32>
      %mul3A_573 = vector.broadcast %shift_right_arithmetic3A_558 : vector<4x1x1xi32> to vector<4x64x128xi32>
      %mul3A_574 = arith.muli %get3A_2, %mul3A_573 : vector<4x64x128xi32>
      %mul3A_575 = vector.broadcast %and3A_564 : vector<4x1x1xi32> to vector<4x64x128xi32>
      %mul3A_576 = arith.muli %get3A_6, %mul3A_575 : vector<4x64x128xi32>
      %add3A_577 = arith.addi %mul3A_574, %mul3A_576 : vector<4x64x128xi32>
      %mul3A_578 = vector.broadcast %and3A_567 : vector<4x1x1xi32> to vector<4x64x128xi32>
      %mul3A_579 = arith.muli %get3A_10, %mul3A_578 : vector<4x64x128xi32>
      %add3A_580 = arith.addi %add3A_577, %mul3A_579 : vector<4x64x128xi32>
      %mul3A_581 = arith.constant 8192 : i32
      %mul3A_582 = vector.broadcast %mul3A_581 : i32 to vector<4x1x1xi32>
      %mul3A_583 = arith.muli %add3A_572, %mul3A_582 : vector<4x1x1xi32>
      %add3A_584 = vector.broadcast %mul3A_583 : vector<4x1x1xi32> to vector<4x64x128xi32>
      %add3A_585 = arith.addi %add3A_24, %add3A_584 : vector<4x64x128xi32>
      %mul3A_586 = arith.constant 16384 : i32
      %mul3A_587 = vector.broadcast %mul3A_586 : i32 to vector<4x64x128xi32>
      %mul3A_588 = arith.muli %add3A_580, %mul3A_587 : vector<4x64x128xi32>
      %sub3A_589 = arith.subi %add3A_585, %mul3A_588 : vector<4x64x128xi32>
      %min3A_590 = arith.minsi %min3A_510, %sub3A_589 : vector<4x64x128xi32>
      %reduce_max3A_591 = arith.constant dense<-2147483648> : vector<4xi32>
      %reduce_max3A_592 = vector.multi_reduction <maxsi>, %min3A_590, %reduce_max3A_591 [1, 2] : vector<4x64x128xi32> to vector<4xi32>
      %broadcast_in_dim3A_593 = vector.shape_cast %reduce_max3A_592 : vector<4xi32> to vector<4x1x1xi32>
      %mul3A_594 = arith.constant 16 : i32
      %mul3A_595 = arith.muli %scan3A_42, %mul3A_594 : i32
      %add3A_596 = arith.constant 7 : i32
      %add3A_597 = arith.addi %mul3A_595, %add3A_596 : i32
      %eq3A_598 = vector.broadcast %broadcast_in_dim3A_593 : vector<4x1x1xi32> to vector<4x64x128xi32>
      %eq3A_599 = arith.cmpi eq, %min3A_590, %eq3A_598 : vector<4x64x128xi32>
      %jit3A_600 = arith.constant 0 : i32
      %broadcast_in_dim3A_601 = vector.broadcast %jit3A_600 : i32 to vector<4x64x128xi32>
      %select_n3A_602 = arith.select %eq3A_599, %add3A_32, %broadcast_in_dim3A_601 : vector<4x64x128xi1>, vector<4x64x128xi32>
      %reduce_max3A_603 = arith.constant dense<-2147483648> : vector<4xi32>
      %reduce_max3A_604 = vector.multi_reduction <maxsi>, %select_n3A_602, %reduce_max3A_603 [1, 2] : vector<4x64x128xi32> to vector<4xi32>
      %broadcast_in_dim3A_605 = vector.shape_cast %reduce_max3A_604 : vector<4xi32> to vector<4x1x1xi32>
      %and3A_606 = arith.constant 8191 : i32
      %and3A_607 = vector.broadcast %and3A_606 : i32 to vector<4x1x1xi32>
      %and3A_608 = arith.andi %broadcast_in_dim3A_593, %and3A_607 : vector<4x1x1xi32>
      %sub3A_609 = arith.constant 8191 : i32
      %sub3A_610 = vector.broadcast %sub3A_609 : i32 to vector<4x1x1xi32>
      %sub3A_611 = arith.subi %sub3A_610, %and3A_608 : vector<4x1x1xi32>
      %slice3A_612 = vector.extract_strided_slice %sub3A_611 {offsets = [0, 0, 0], sizes = [1, 1, 1], strides = [1, 1, 1]} : vector<4x1x1xi32> to vector<1x1x1xi32>
      %squeeze3A_613 = vector.shape_cast %slice3A_612 : vector<1x1x1xi32> to vector<1x1xi32>
      %slice3A_614 = vector.extract_strided_slice %sub3A_611 {offsets = [1, 0, 0], sizes = [1, 1, 1], strides = [1, 1, 1]} : vector<4x1x1xi32> to vector<1x1x1xi32>
      %squeeze3A_615 = vector.shape_cast %slice3A_614 : vector<1x1x1xi32> to vector<1x1xi32>
      %slice3A_616 = vector.extract_strided_slice %sub3A_611 {offsets = [2, 0, 0], sizes = [1, 1, 1], strides = [1, 1, 1]} : vector<4x1x1xi32> to vector<1x1x1xi32>
      %squeeze3A_617 = vector.shape_cast %slice3A_616 : vector<1x1x1xi32> to vector<1x1xi32>
      %slice3A_618 = vector.extract_strided_slice %sub3A_611 {offsets = [3, 0, 0], sizes = [1, 1, 1], strides = [1, 1, 1]} : vector<4x1x1xi32> to vector<1x1x1xi32>
      %squeeze3A_619 = vector.shape_cast %slice3A_618 : vector<1x1x1xi32> to vector<1x1xi32>
      %concatenate3A_620 = tpu.concatenate %squeeze3A_613, %squeeze3A_615, %squeeze3A_617, %squeeze3A_619 in 1 : vector<1x1xi32>, vector<1x1xi32>, vector<1x1xi32>, vector<1x1xi32> -> vector<1x4xi32>
      %swap3A_621 = arith.index_cast %add3A_597 : i32 to index
      %swap3A_622 = arith.constant 0 : index
      %swap3A_623 = vector.load %arg3[%swap3A_621, %swap3A_622] : memref<2048x4xi32, #tpu.memory_space<vmem>>, vector<1x4xi32>
      tpu.vector_store %arg3[%swap3A_621, %swap3A_622], %concatenate3A_620 {strides = array<i32>} : memref<2048x4xi32, #tpu.memory_space<vmem>>, vector<1x4xi32>,
      %slice3A_624 = vector.extract_strided_slice %broadcast_in_dim3A_605 {offsets = [0, 0, 0], sizes = [1, 1, 1], strides = [1, 1, 1]} : vector<4x1x1xi32> to vector<1x1x1xi32>
      %squeeze3A_625 = vector.shape_cast %slice3A_624 : vector<1x1x1xi32> to vector<1x1xi32>
      %slice3A_626 = vector.extract_strided_slice %broadcast_in_dim3A_605 {offsets = [1, 0, 0], sizes = [1, 1, 1], strides = [1, 1, 1]} : vector<4x1x1xi32> to vector<1x1x1xi32>
      %squeeze3A_627 = vector.shape_cast %slice3A_626 : vector<1x1x1xi32> to vector<1x1xi32>
      %slice3A_628 = vector.extract_strided_slice %broadcast_in_dim3A_605 {offsets = [2, 0, 0], sizes = [1, 1, 1], strides = [1, 1, 1]} : vector<4x1x1xi32> to vector<1x1x1xi32>
      %squeeze3A_629 = vector.shape_cast %slice3A_628 : vector<1x1x1xi32> to vector<1x1xi32>
      %slice3A_630 = vector.extract_strided_slice %broadcast_in_dim3A_605 {offsets = [3, 0, 0], sizes = [1, 1, 1], strides = [1, 1, 1]} : vector<4x1x1xi32> to vector<1x1x1xi32>
      %squeeze3A_631 = vector.shape_cast %slice3A_630 : vector<1x1x1xi32> to vector<1x1xi32>
      %concatenate3A_632 = tpu.concatenate %squeeze3A_625, %squeeze3A_627, %squeeze3A_629, %squeeze3A_631 in 1 : vector<1x1xi32>, vector<1x1xi32>, vector<1x1xi32>, vector<1x1xi32> -> vector<1x4xi32>
      %swap3A_633 = arith.index_cast %add3A_597 : i32 to index
      %swap3A_634 = arith.constant 0 : index
      %swap3A_635 = vector.load %arg4[%swap3A_633, %swap3A_634] : memref<2048x4xi32, #tpu.memory_space<vmem>>, vector<1x4xi32>
      tpu.vector_store %arg4[%swap3A_633, %swap3A_634], %concatenate3A_632 {strides = array<i32>} : memref<2048x4xi32, #tpu.memory_space<vmem>>, vector<1x4xi32>,
      %shift_right_arithmetic3A_636 = arith.constant 14 : i32
      %shift_right_arithmetic3A_637 = vector.broadcast %shift_right_arithmetic3A_636 : i32 to vector<4x1x1xi32>
      %shift_right_arithmetic3A_638 = arith.shrsi %broadcast_in_dim3A_605, %shift_right_arithmetic3A_637 : vector<4x1x1xi32>
      %shift_right_arithmetic3A_639 = arith.constant 7 : i32
      %shift_right_arithmetic3A_640 = vector.broadcast %shift_right_arithmetic3A_639 : i32 to vector<4x1x1xi32>
      %shift_right_arithmetic3A_641 = arith.shrsi %broadcast_in_dim3A_605, %shift_right_arithmetic3A_640 : vector<4x1x1xi32>
      %and3A_642 = arith.constant 127 : i32
      %and3A_643 = vector.broadcast %and3A_642 : i32 to vector<4x1x1xi32>
      %and3A_644 = arith.andi %shift_right_arithmetic3A_641, %and3A_643 : vector<4x1x1xi32>
      %and3A_645 = arith.constant 127 : i32
      %and3A_646 = vector.broadcast %and3A_645 : i32 to vector<4x1x1xi32>
      %and3A_647 = arith.andi %broadcast_in_dim3A_605, %and3A_646 : vector<4x1x1xi32>
      %mul3A_648 = arith.muli %shift_right_arithmetic3A_638, %shift_right_arithmetic3A_638 : vector<4x1x1xi32>
      %mul3A_649 = arith.muli %and3A_644, %and3A_644 : vector<4x1x1xi32>
      %add3A_650 = arith.addi %mul3A_648, %mul3A_649 : vector<4x1x1xi32>
      %mul3A_651 = arith.muli %and3A_647, %and3A_647 : vector<4x1x1xi32>
      %add3A_652 = arith.addi %add3A_650, %mul3A_651 : vector<4x1x1xi32>
      %mul3A_653 = vector.broadcast %shift_right_arithmetic3A_638 : vector<4x1x1xi32> to vector<4x64x128xi32>
      %mul3A_654 = arith.muli %get3A_2, %mul3A_653 : vector<4x64x128xi32>
      %mul3A_655 = vector.broadcast %and3A_644 : vector<4x1x1xi32> to vector<4x64x128xi32>
      %mul3A_656 = arith.muli %get3A_6, %mul3A_655 : vector<4x64x128xi32>
      %add3A_657 = arith.addi %mul3A_654, %mul3A_656 : vector<4x64x128xi32>
      %mul3A_658 = vector.broadcast %and3A_647 : vector<4x1x1xi32> to vector<4x64x128xi32>
      %mul3A_659 = arith.muli %get3A_10, %mul3A_658 : vector<4x64x128xi32>
      %add3A_660 = arith.addi %add3A_657, %mul3A_659 : vector<4x64x128xi32>
      %mul3A_661 = arith.constant 8192 : i32
      %mul3A_662 = vector.broadcast %mul3A_661 : i32 to vector<4x1x1xi32>
      %mul3A_663 = arith.muli %add3A_652, %mul3A_662 : vector<4x1x1xi32>
      %add3A_664 = vector.broadcast %mul3A_663 : vector<4x1x1xi32> to vector<4x64x128xi32>
      %add3A_665 = arith.addi %add3A_24, %add3A_664 : vector<4x64x128xi32>
      %mul3A_666 = arith.constant 16384 : i32
      %mul3A_667 = vector.broadcast %mul3A_666 : i32 to vector<4x64x128xi32>
      %mul3A_668 = arith.muli %add3A_660, %mul3A_667 : vector<4x64x128xi32>
      %sub3A_669 = arith.subi %add3A_665, %mul3A_668 : vector<4x64x128xi32>
      %min3A_670 = arith.minsi %min3A_590, %sub3A_669 : vector<4x64x128xi32>
      %reduce_max3A_671 = arith.constant dense<-2147483648> : vector<4xi32>
      %reduce_max3A_672 = vector.multi_reduction <maxsi>, %min3A_670, %reduce_max3A_671 [1, 2] : vector<4x64x128xi32> to vector<4xi32>
      %broadcast_in_dim3A_673 = vector.shape_cast %reduce_max3A_672 : vector<4xi32> to vector<4x1x1xi32>
      %mul3A_674 = arith.constant 16 : i32
      %mul3A_675 = arith.muli %scan3A_42, %mul3A_674 : i32
      %add3A_676 = arith.constant 8 : i32
      %add3A_677 = arith.addi %mul3A_675, %add3A_676 : i32
      %eq3A_678 = vector.broadcast %broadcast_in_dim3A_673 : vector<4x1x1xi32> to vector<4x64x128xi32>
      %eq3A_679 = arith.cmpi eq, %min3A_670, %eq3A_678 : vector<4x64x128xi32>
      %jit3A_680 = arith.constant 0 : i32
      %broadcast_in_dim3A_681 = vector.broadcast %jit3A_680 : i32 to vector<4x64x128xi32>
      %select_n3A_682 = arith.select %eq3A_679, %add3A_32, %broadcast_in_dim3A_681 : vector<4x64x128xi1>, vector<4x64x128xi32>
      %reduce_max3A_683 = arith.constant dense<-2147483648> : vector<4xi32>
      %reduce_max3A_684 = vector.multi_reduction <maxsi>, %select_n3A_682, %reduce_max3A_683 [1, 2] : vector<4x64x128xi32> to vector<4xi32>
      %broadcast_in_dim3A_685 = vector.shape_cast %reduce_max3A_684 : vector<4xi32> to vector<4x1x1xi32>
      %and3A_686 = arith.constant 8191 : i32
      %and3A_687 = vector.broadcast %and3A_686 : i32 to vector<4x1x1xi32>
      %and3A_688 = arith.andi %broadcast_in_dim3A_673, %and3A_687 : vector<4x1x1xi32>
      %sub3A_689 = arith.constant 8191 : i32
      %sub3A_690 = vector.broadcast %sub3A_689 : i32 to vector<4x1x1xi32>
      %sub3A_691 = arith.subi %sub3A_690, %and3A_688 : vector<4x1x1xi32>
      %slice3A_692 = vector.extract_strided_slice %sub3A_691 {offsets = [0, 0, 0], sizes = [1, 1, 1], strides = [1, 1, 1]} : vector<4x1x1xi32> to vector<1x1x1xi32>
      %squeeze3A_693 = vector.shape_cast %slice3A_692 : vector<1x1x1xi32> to vector<1x1xi32>
      %slice3A_694 = vector.extract_strided_slice %sub3A_691 {offsets = [1, 0, 0], sizes = [1, 1, 1], strides = [1, 1, 1]} : vector<4x1x1xi32> to vector<1x1x1xi32>
      %squeeze3A_695 = vector.shape_cast %slice3A_694 : vector<1x1x1xi32> to vector<1x1xi32>
      %slice3A_696 = vector.extract_strided_slice %sub3A_691 {offsets = [2, 0, 0], sizes = [1, 1, 1], strides = [1, 1, 1]} : vector<4x1x1xi32> to vector<1x1x1xi32>
      %squeeze3A_697 = vector.shape_cast %slice3A_696 : vector<1x1x1xi32> to vector<1x1xi32>
      %slice3A_698 = vector.extract_strided_slice %sub3A_691 {offsets = [3, 0, 0], sizes = [1, 1, 1], strides = [1, 1, 1]} : vector<4x1x1xi32> to vector<1x1x1xi32>
      %squeeze3A_699 = vector.shape_cast %slice3A_698 : vector<1x1x1xi32> to vector<1x1xi32>
      %concatenate3A_700 = tpu.concatenate %squeeze3A_693, %squeeze3A_695, %squeeze3A_697, %squeeze3A_699 in 1 : vector<1x1xi32>, vector<1x1xi32>, vector<1x1xi32>, vector<1x1xi32> -> vector<1x4xi32>
      %swap3A_701 = arith.index_cast %add3A_677 : i32 to index
      %swap3A_702 = arith.constant 0 : index
      %swap3A_703 = vector.load %arg3[%swap3A_701, %swap3A_702] : memref<2048x4xi32, #tpu.memory_space<vmem>>, vector<1x4xi32>
      tpu.vector_store %arg3[%swap3A_701, %swap3A_702], %concatenate3A_700 {strides = array<i32>} : memref<2048x4xi32, #tpu.memory_space<vmem>>, vector<1x4xi32>,
      %slice3A_704 = vector.extract_strided_slice %broadcast_in_dim3A_685 {offsets = [0, 0, 0], sizes = [1, 1, 1], strides = [1, 1, 1]} : vector<4x1x1xi32> to vector<1x1x1xi32>
      %squeeze3A_705 = vector.shape_cast %slice3A_704 : vector<1x1x1xi32> to vector<1x1xi32>
      %slice3A_706 = vector.extract_strided_slice %broadcast_in_dim3A_685 {offsets = [1, 0, 0], sizes = [1, 1, 1], strides = [1, 1, 1]} : vector<4x1x1xi32> to vector<1x1x1xi32>
      %squeeze3A_707 = vector.shape_cast %slice3A_706 : vector<1x1x1xi32> to vector<1x1xi32>
      %slice3A_708 = vector.extract_strided_slice %broadcast_in_dim3A_685 {offsets = [2, 0, 0], sizes = [1, 1, 1], strides = [1, 1, 1]} : vector<4x1x1xi32> to vector<1x1x1xi32>
      %squeeze3A_709 = vector.shape_cast %slice3A_708 : vector<1x1x1xi32> to vector<1x1xi32>
      %slice3A_710 = vector.extract_strided_slice %broadcast_in_dim3A_685 {offsets = [3, 0, 0], sizes = [1, 1, 1], strides = [1, 1, 1]} : vector<4x1x1xi32> to vector<1x1x1xi32>
      %squeeze3A_711 = vector.shape_cast %slice3A_710 : vector<1x1x1xi32> to vector<1x1xi32>
      %concatenate3A_712 = tpu.concatenate %squeeze3A_705, %squeeze3A_707, %squeeze3A_709, %squeeze3A_711 in 1 : vector<1x1xi32>, vector<1x1xi32>, vector<1x1xi32>, vector<1x1xi32> -> vector<1x4xi32>
      %swap3A_713 = arith.index_cast %add3A_677 : i32 to index
      %swap3A_714 = arith.constant 0 : index
      %swap3A_715 = vector.load %arg4[%swap3A_713, %swap3A_714] : memref<2048x4xi32, #tpu.memory_space<vmem>>, vector<1x4xi32>
      tpu.vector_store %arg4[%swap3A_713, %swap3A_714], %concatenate3A_712 {strides = array<i32>} : memref<2048x4xi32, #tpu.memory_space<vmem>>, vector<1x4xi32>,
      %shift_right_arithmetic3A_716 = arith.constant 14 : i32
      %shift_right_arithmetic3A_717 = vector.broadcast %shift_right_arithmetic3A_716 : i32 to vector<4x1x1xi32>
      %shift_right_arithmetic3A_718 = arith.shrsi %broadcast_in_dim3A_685, %shift_right_arithmetic3A_717 : vector<4x1x1xi32>
      %shift_right_arithmetic3A_719 = arith.constant 7 : i32
      %shift_right_arithmetic3A_720 = vector.broadcast %shift_right_arithmetic3A_719 : i32 to vector<4x1x1xi32>
      %shift_right_arithmetic3A_721 = arith.shrsi %broadcast_in_dim3A_685, %shift_right_arithmetic3A_720 : vector<4x1x1xi32>
      %and3A_722 = arith.constant 127 : i32
      %and3A_723 = vector.broadcast %and3A_722 : i32 to vector<4x1x1xi32>
      %and3A_724 = arith.andi %shift_right_arithmetic3A_721, %and3A_723 : vector<4x1x1xi32>
      %and3A_725 = arith.constant 127 : i32
      %and3A_726 = vector.broadcast %and3A_725 : i32 to vector<4x1x1xi32>
      %and3A_727 = arith.andi %broadcast_in_dim3A_685, %and3A_726 : vector<4x1x1xi32>
      %mul3A_728 = arith.muli %shift_right_arithmetic3A_718, %shift_right_arithmetic3A_718 : vector<4x1x1xi32>
      %mul3A_729 = arith.muli %and3A_724, %and3A_724 : vector<4x1x1xi32>
      %add3A_730 = arith.addi %mul3A_728, %mul3A_729 : vector<4x1x1xi32>
      %mul3A_731 = arith.muli %and3A_727, %and3A_727 : vector<4x1x1xi32>
      %add3A_732 = arith.addi %add3A_730, %mul3A_731 : vector<4x1x1xi32>
      %mul3A_733 = vector.broadcast %shift_right_arithmetic3A_718 : vector<4x1x1xi32> to vector<4x64x128xi32>
      %mul3A_734 = arith.muli %get3A_2, %mul3A_733 : vector<4x64x128xi32>
      %mul3A_735 = vector.broadcast %and3A_724 : vector<4x1x1xi32> to vector<4x64x128xi32>
      %mul3A_736 = arith.muli %get3A_6, %mul3A_735 : vector<4x64x128xi32>
      %add3A_737 = arith.addi %mul3A_734, %mul3A_736 : vector<4x64x128xi32>
      %mul3A_738 = vector.broadcast %and3A_727 : vector<4x1x1xi32> to vector<4x64x128xi32>
      %mul3A_739 = arith.muli %get3A_10, %mul3A_738 : vector<4x64x128xi32>
      %add3A_740 = arith.addi %add3A_737, %mul3A_739 : vector<4x64x128xi32>
      %mul3A_741 = arith.constant 8192 : i32
      %mul3A_742 = vector.broadcast %mul3A_741 : i32 to vector<4x1x1xi32>
      %mul3A_743 = arith.muli %add3A_732, %mul3A_742 : vector<4x1x1xi32>
      %add3A_744 = vector.broadcast %mul3A_743 : vector<4x1x1xi32> to vector<4x64x128xi32>
      %add3A_745 = arith.addi %add3A_24, %add3A_744 : vector<4x64x128xi32>
      %mul3A_746 = arith.constant 16384 : i32
      %mul3A_747 = vector.broadcast %mul3A_746 : i32 to vector<4x64x128xi32>
      %mul3A_748 = arith.muli %add3A_740, %mul3A_747 : vector<4x64x128xi32>
      %sub3A_749 = arith.subi %add3A_745, %mul3A_748 : vector<4x64x128xi32>
      %min3A_750 = arith.minsi %min3A_670, %sub3A_749 : vector<4x64x128xi32>
      %reduce_max3A_751 = arith.constant dense<-2147483648> : vector<4xi32>
      %reduce_max3A_752 = vector.multi_reduction <maxsi>, %min3A_750, %reduce_max3A_751 [1, 2] : vector<4x64x128xi32> to vector<4xi32>
      %broadcast_in_dim3A_753 = vector.shape_cast %reduce_max3A_752 : vector<4xi32> to vector<4x1x1xi32>
      %mul3A_754 = arith.constant 16 : i32
      %mul3A_755 = arith.muli %scan3A_42, %mul3A_754 : i32
      %add3A_756 = arith.constant 9 : i32
      %add3A_757 = arith.addi %mul3A_755, %add3A_756 : i32
      %eq3A_758 = vector.broadcast %broadcast_in_dim3A_753 : vector<4x1x1xi32> to vector<4x64x128xi32>
      %eq3A_759 = arith.cmpi eq, %min3A_750, %eq3A_758 : vector<4x64x128xi32>
      %jit3A_760 = arith.constant 0 : i32
      %broadcast_in_dim3A_761 = vector.broadcast %jit3A_760 : i32 to vector<4x64x128xi32>
      %select_n3A_762 = arith.select %eq3A_759, %add3A_32, %broadcast_in_dim3A_761 : vector<4x64x128xi1>, vector<4x64x128xi32>
      %reduce_max3A_763 = arith.constant dense<-2147483648> : vector<4xi32>
      %reduce_max3A_764 = vector.multi_reduction <maxsi>, %select_n3A_762, %reduce_max3A_763 [1, 2] : vector<4x64x128xi32> to vector<4xi32>
      %broadcast_in_dim3A_765 = vector.shape_cast %reduce_max3A_764 : vector<4xi32> to vector<4x1x1xi32>
      %and3A_766 = arith.constant 8191 : i32
      %and3A_767 = vector.broadcast %and3A_766 : i32 to vector<4x1x1xi32>
      %and3A_768 = arith.andi %broadcast_in_dim3A_753, %and3A_767 : vector<4x1x1xi32>
      %sub3A_769 = arith.constant 8191 : i32
      %sub3A_770 = vector.broadcast %sub3A_769 : i32 to vector<4x1x1xi32>
      %sub3A_771 = arith.subi %sub3A_770, %and3A_768 : vector<4x1x1xi32>
      %slice3A_772 = vector.extract_strided_slice %sub3A_771 {offsets = [0, 0, 0], sizes = [1, 1, 1], strides = [1, 1, 1]} : vector<4x1x1xi32> to vector<1x1x1xi32>
      %squeeze3A_773 = vector.shape_cast %slice3A_772 : vector<1x1x1xi32> to vector<1x1xi32>
      %slice3A_774 = vector.extract_strided_slice %sub3A_771 {offsets = [1, 0, 0], sizes = [1, 1, 1], strides = [1, 1, 1]} : vector<4x1x1xi32> to vector<1x1x1xi32>
      %squeeze3A_775 = vector.shape_cast %slice3A_774 : vector<1x1x1xi32> to vector<1x1xi32>
      %slice3A_776 = vector.extract_strided_slice %sub3A_771 {offsets = [2, 0, 0], sizes = [1, 1, 1], strides = [1, 1, 1]} : vector<4x1x1xi32> to vector<1x1x1xi32>
      %squeeze3A_777 = vector.shape_cast %slice3A_776 : vector<1x1x1xi32> to vector<1x1xi32>
      %slice3A_778 = vector.extract_strided_slice %sub3A_771 {offsets = [3, 0, 0], sizes = [1, 1, 1], strides = [1, 1, 1]} : vector<4x1x1xi32> to vector<1x1x1xi32>
      %squeeze3A_779 = vector.shape_cast %slice3A_778 : vector<1x1x1xi32> to vector<1x1xi32>
      %concatenate3A_780 = tpu.concatenate %squeeze3A_773, %squeeze3A_775, %squeeze3A_777, %squeeze3A_779 in 1 : vector<1x1xi32>, vector<1x1xi32>, vector<1x1xi32>, vector<1x1xi32> -> vector<1x4xi32>
      %swap3A_781 = arith.index_cast %add3A_757 : i32 to index
      %swap3A_782 = arith.constant 0 : index
      %swap3A_783 = vector.load %arg3[%swap3A_781, %swap3A_782] : memref<2048x4xi32, #tpu.memory_space<vmem>>, vector<1x4xi32>
      tpu.vector_store %arg3[%swap3A_781, %swap3A_782], %concatenate3A_780 {strides = array<i32>} : memref<2048x4xi32, #tpu.memory_space<vmem>>, vector<1x4xi32>,
      %slice3A_784 = vector.extract_strided_slice %broadcast_in_dim3A_765 {offsets = [0, 0, 0], sizes = [1, 1, 1], strides = [1, 1, 1]} : vector<4x1x1xi32> to vector<1x1x1xi32>
      %squeeze3A_785 = vector.shape_cast %slice3A_784 : vector<1x1x1xi32> to vector<1x1xi32>
      %slice3A_786 = vector.extract_strided_slice %broadcast_in_dim3A_765 {offsets = [1, 0, 0], sizes = [1, 1, 1], strides = [1, 1, 1]} : vector<4x1x1xi32> to vector<1x1x1xi32>
      %squeeze3A_787 = vector.shape_cast %slice3A_786 : vector<1x1x1xi32> to vector<1x1xi32>
      %slice3A_788 = vector.extract_strided_slice %broadcast_in_dim3A_765 {offsets = [2, 0, 0], sizes = [1, 1, 1], strides = [1, 1, 1]} : vector<4x1x1xi32> to vector<1x1x1xi32>
      %squeeze3A_789 = vector.shape_cast %slice3A_788 : vector<1x1x1xi32> to vector<1x1xi32>
      %slice3A_790 = vector.extract_strided_slice %broadcast_in_dim3A_765 {offsets = [3, 0, 0], sizes = [1, 1, 1], strides = [1, 1, 1]} : vector<4x1x1xi32> to vector<1x1x1xi32>
      %squeeze3A_791 = vector.shape_cast %slice3A_790 : vector<1x1x1xi32> to vector<1x1xi32>
      %concatenate3A_792 = tpu.concatenate %squeeze3A_785, %squeeze3A_787, %squeeze3A_789, %squeeze3A_791 in 1 : vector<1x1xi32>, vector<1x1xi32>, vector<1x1xi32>, vector<1x1xi32> -> vector<1x4xi32>
      %swap3A_793 = arith.index_cast %add3A_757 : i32 to index
      %swap3A_794 = arith.constant 0 : index
      %swap3A_795 = vector.load %arg4[%swap3A_793, %swap3A_794] : memref<2048x4xi32, #tpu.memory_space<vmem>>, vector<1x4xi32>
      tpu.vector_store %arg4[%swap3A_793, %swap3A_794], %concatenate3A_792 {strides = array<i32>} : memref<2048x4xi32, #tpu.memory_space<vmem>>, vector<1x4xi32>,
      %shift_right_arithmetic3A_796 = arith.constant 14 : i32
      %shift_right_arithmetic3A_797 = vector.broadcast %shift_right_arithmetic3A_796 : i32 to vector<4x1x1xi32>
      %shift_right_arithmetic3A_798 = arith.shrsi %broadcast_in_dim3A_765, %shift_right_arithmetic3A_797 : vector<4x1x1xi32>
      %shift_right_arithmetic3A_799 = arith.constant 7 : i32
      %shift_right_arithmetic3A_800 = vector.broadcast %shift_right_arithmetic3A_799 : i32 to vector<4x1x1xi32>
      %shift_right_arithmetic3A_801 = arith.shrsi %broadcast_in_dim3A_765, %shift_right_arithmetic3A_800 : vector<4x1x1xi32>
      %and3A_802 = arith.constant 127 : i32
      %and3A_803 = vector.broadcast %and3A_802 : i32 to vector<4x1x1xi32>
      %and3A_804 = arith.andi %shift_right_arithmetic3A_801, %and3A_803 : vector<4x1x1xi32>
      %and3A_805 = arith.constant 127 : i32
      %and3A_806 = vector.broadcast %and3A_805 : i32 to vector<4x1x1xi32>
      %and3A_807 = arith.andi %broadcast_in_dim3A_765, %and3A_806 : vector<4x1x1xi32>
      %mul3A_808 = arith.muli %shift_right_arithmetic3A_798, %shift_right_arithmetic3A_798 : vector<4x1x1xi32>
      %mul3A_809 = arith.muli %and3A_804, %and3A_804 : vector<4x1x1xi32>
      %add3A_810 = arith.addi %mul3A_808, %mul3A_809 : vector<4x1x1xi32>
      %mul3A_811 = arith.muli %and3A_807, %and3A_807 : vector<4x1x1xi32>
      %add3A_812 = arith.addi %add3A_810, %mul3A_811 : vector<4x1x1xi32>
      %mul3A_813 = vector.broadcast %shift_right_arithmetic3A_798 : vector<4x1x1xi32> to vector<4x64x128xi32>
      %mul3A_814 = arith.muli %get3A_2, %mul3A_813 : vector<4x64x128xi32>
      %mul3A_815 = vector.broadcast %and3A_804 : vector<4x1x1xi32> to vector<4x64x128xi32>
      %mul3A_816 = arith.muli %get3A_6, %mul3A_815 : vector<4x64x128xi32>
      %add3A_817 = arith.addi %mul3A_814, %mul3A_816 : vector<4x64x128xi32>
      %mul3A_818 = vector.broadcast %and3A_807 : vector<4x1x1xi32> to vector<4x64x128xi32>
      %mul3A_819 = arith.muli %get3A_10, %mul3A_818 : vector<4x64x128xi32>
      %add3A_820 = arith.addi %add3A_817, %mul3A_819 : vector<4x64x128xi32>
      %mul3A_821 = arith.constant 8192 : i32
      %mul3A_822 = vector.broadcast %mul3A_821 : i32 to vector<4x1x1xi32>
      %mul3A_823 = arith.muli %add3A_812, %mul3A_822 : vector<4x1x1xi32>
      %add3A_824 = vector.broadcast %mul3A_823 : vector<4x1x1xi32> to vector<4x64x128xi32>
      %add3A_825 = arith.addi %add3A_24, %add3A_824 : vector<4x64x128xi32>
      %mul3A_826 = arith.constant 16384 : i32
      %mul3A_827 = vector.broadcast %mul3A_826 : i32 to vector<4x64x128xi32>
      %mul3A_828 = arith.muli %add3A_820, %mul3A_827 : vector<4x64x128xi32>
      %sub3A_829 = arith.subi %add3A_825, %mul3A_828 : vector<4x64x128xi32>
      %min3A_830 = arith.minsi %min3A_750, %sub3A_829 : vector<4x64x128xi32>
      %reduce_max3A_831 = arith.constant dense<-2147483648> : vector<4xi32>
      %reduce_max3A_832 = vector.multi_reduction <maxsi>, %min3A_830, %reduce_max3A_831 [1, 2] : vector<4x64x128xi32> to vector<4xi32>
      %broadcast_in_dim3A_833 = vector.shape_cast %reduce_max3A_832 : vector<4xi32> to vector<4x1x1xi32>
      %mul3A_834 = arith.constant 16 : i32
      %mul3A_835 = arith.muli %scan3A_42, %mul3A_834 : i32
      %add3A_836 = arith.constant 10 : i32
      %add3A_837 = arith.addi %mul3A_835, %add3A_836 : i32
      %eq3A_838 = vector.broadcast %broadcast_in_dim3A_833 : vector<4x1x1xi32> to vector<4x64x128xi32>
      %eq3A_839 = arith.cmpi eq, %min3A_830, %eq3A_838 : vector<4x64x128xi32>
      %jit3A_840 = arith.constant 0 : i32
      %broadcast_in_dim3A_841 = vector.broadcast %jit3A_840 : i32 to vector<4x64x128xi32>
      %select_n3A_842 = arith.select %eq3A_839, %add3A_32, %broadcast_in_dim3A_841 : vector<4x64x128xi1>, vector<4x64x128xi32>
      %reduce_max3A_843 = arith.constant dense<-2147483648> : vector<4xi32>
      %reduce_max3A_844 = vector.multi_reduction <maxsi>, %select_n3A_842, %reduce_max3A_843 [1, 2] : vector<4x64x128xi32> to vector<4xi32>
      %broadcast_in_dim3A_845 = vector.shape_cast %reduce_max3A_844 : vector<4xi32> to vector<4x1x1xi32>
      %and3A_846 = arith.constant 8191 : i32
      %and3A_847 = vector.broadcast %and3A_846 : i32 to vector<4x1x1xi32>
      %and3A_848 = arith.andi %broadcast_in_dim3A_833, %and3A_847 : vector<4x1x1xi32>
      %sub3A_849 = arith.constant 8191 : i32
      %sub3A_850 = vector.broadcast %sub3A_849 : i32 to vector<4x1x1xi32>
      %sub3A_851 = arith.subi %sub3A_850, %and3A_848 : vector<4x1x1xi32>
      %slice3A_852 = vector.extract_strided_slice %sub3A_851 {offsets = [0, 0, 0], sizes = [1, 1, 1], strides = [1, 1, 1]} : vector<4x1x1xi32> to vector<1x1x1xi32>
      %squeeze3A_853 = vector.shape_cast %slice3A_852 : vector<1x1x1xi32> to vector<1x1xi32>
      %slice3A_854 = vector.extract_strided_slice %sub3A_851 {offsets = [1, 0, 0], sizes = [1, 1, 1], strides = [1, 1, 1]} : vector<4x1x1xi32> to vector<1x1x1xi32>
      %squeeze3A_855 = vector.shape_cast %slice3A_854 : vector<1x1x1xi32> to vector<1x1xi32>
      %slice3A_856 = vector.extract_strided_slice %sub3A_851 {offsets = [2, 0, 0], sizes = [1, 1, 1], strides = [1, 1, 1]} : vector<4x1x1xi32> to vector<1x1x1xi32>
      %squeeze3A_857 = vector.shape_cast %slice3A_856 : vector<1x1x1xi32> to vector<1x1xi32>
      %slice3A_858 = vector.extract_strided_slice %sub3A_851 {offsets = [3, 0, 0], sizes = [1, 1, 1], strides = [1, 1, 1]} : vector<4x1x1xi32> to vector<1x1x1xi32>
      %squeeze3A_859 = vector.shape_cast %slice3A_858 : vector<1x1x1xi32> to vector<1x1xi32>
      %concatenate3A_860 = tpu.concatenate %squeeze3A_853, %squeeze3A_855, %squeeze3A_857, %squeeze3A_859 in 1 : vector<1x1xi32>, vector<1x1xi32>, vector<1x1xi32>, vector<1x1xi32> -> vector<1x4xi32>
      %swap3A_861 = arith.index_cast %add3A_837 : i32 to index
      %swap3A_862 = arith.constant 0 : index
      %swap3A_863 = vector.load %arg3[%swap3A_861, %swap3A_862] : memref<2048x4xi32, #tpu.memory_space<vmem>>, vector<1x4xi32>
      tpu.vector_store %arg3[%swap3A_861, %swap3A_862], %concatenate3A_860 {strides = array<i32>} : memref<2048x4xi32, #tpu.memory_space<vmem>>, vector<1x4xi32>,
      %slice3A_864 = vector.extract_strided_slice %broadcast_in_dim3A_845 {offsets = [0, 0, 0], sizes = [1, 1, 1], strides = [1, 1, 1]} : vector<4x1x1xi32> to vector<1x1x1xi32>
      %squeeze3A_865 = vector.shape_cast %slice3A_864 : vector<1x1x1xi32> to vector<1x1xi32>
      %slice3A_866 = vector.extract_strided_slice %broadcast_in_dim3A_845 {offsets = [1, 0, 0], sizes = [1, 1, 1], strides = [1, 1, 1]} : vector<4x1x1xi32> to vector<1x1x1xi32>
      %squeeze3A_867 = vector.shape_cast %slice3A_866 : vector<1x1x1xi32> to vector<1x1xi32>
      %slice3A_868 = vector.extract_strided_slice %broadcast_in_dim3A_845 {offsets = [2, 0, 0], sizes = [1, 1, 1], strides = [1, 1, 1]} : vector<4x1x1xi32> to vector<1x1x1xi32>
      %squeeze3A_869 = vector.shape_cast %slice3A_868 : vector<1x1x1xi32> to vector<1x1xi32>
      %slice3A_870 = vector.extract_strided_slice %broadcast_in_dim3A_845 {offsets = [3, 0, 0], sizes = [1, 1, 1], strides = [1, 1, 1]} : vector<4x1x1xi32> to vector<1x1x1xi32>
      %squeeze3A_871 = vector.shape_cast %slice3A_870 : vector<1x1x1xi32> to vector<1x1xi32>
      %concatenate3A_872 = tpu.concatenate %squeeze3A_865, %squeeze3A_867, %squeeze3A_869, %squeeze3A_871 in 1 : vector<1x1xi32>, vector<1x1xi32>, vector<1x1xi32>, vector<1x1xi32> -> vector<1x4xi32>
      %swap3A_873 = arith.index_cast %add3A_837 : i32 to index
      %swap3A_874 = arith.constant 0 : index
      %swap3A_875 = vector.load %arg4[%swap3A_873, %swap3A_874] : memref<2048x4xi32, #tpu.memory_space<vmem>>, vector<1x4xi32>
      tpu.vector_store %arg4[%swap3A_873, %swap3A_874], %concatenate3A_872 {strides = array<i32>} : memref<2048x4xi32, #tpu.memory_space<vmem>>, vector<1x4xi32>,
      %shift_right_arithmetic3A_876 = arith.constant 14 : i32
      %shift_right_arithmetic3A_877 = vector.broadcast %shift_right_arithmetic3A_876 : i32 to vector<4x1x1xi32>
      %shift_right_arithmetic3A_878 = arith.shrsi %broadcast_in_dim3A_845, %shift_right_arithmetic3A_877 : vector<4x1x1xi32>
      %shift_right_arithmetic3A_879 = arith.constant 7 : i32
      %shift_right_arithmetic3A_880 = vector.broadcast %shift_right_arithmetic3A_879 : i32 to vector<4x1x1xi32>
      %shift_right_arithmetic3A_881 = arith.shrsi %broadcast_in_dim3A_845, %shift_right_arithmetic3A_880 : vector<4x1x1xi32>
      %and3A_882 = arith.constant 127 : i32
      %and3A_883 = vector.broadcast %and3A_882 : i32 to vector<4x1x1xi32>
      %and3A_884 = arith.andi %shift_right_arithmetic3A_881, %and3A_883 : vector<4x1x1xi32>
      %and3A_885 = arith.constant 127 : i32
      %and3A_886 = vector.broadcast %and3A_885 : i32 to vector<4x1x1xi32>
      %and3A_887 = arith.andi %broadcast_in_dim3A_845, %and3A_886 : vector<4x1x1xi32>
      %mul3A_888 = arith.muli %shift_right_arithmetic3A_878, %shift_right_arithmetic3A_878 : vector<4x1x1xi32>
      %mul3A_889 = arith.muli %and3A_884, %and3A_884 : vector<4x1x1xi32>
      %add3A_890 = arith.addi %mul3A_888, %mul3A_889 : vector<4x1x1xi32>
      %mul3A_891 = arith.muli %and3A_887, %and3A_887 : vector<4x1x1xi32>
      %add3A_892 = arith.addi %add3A_890, %mul3A_891 : vector<4x1x1xi32>
      %mul3A_893 = vector.broadcast %shift_right_arithmetic3A_878 : vector<4x1x1xi32> to vector<4x64x128xi32>
      %mul3A_894 = arith.muli %get3A_2, %mul3A_893 : vector<4x64x128xi32>
      %mul3A_895 = vector.broadcast %and3A_884 : vector<4x1x1xi32> to vector<4x64x128xi32>
      %mul3A_896 = arith.muli %get3A_6, %mul3A_895 : vector<4x64x128xi32>
      %add3A_897 = arith.addi %mul3A_894, %mul3A_896 : vector<4x64x128xi32>
      %mul3A_898 = vector.broadcast %and3A_887 : vector<4x1x1xi32> to vector<4x64x128xi32>
      %mul3A_899 = arith.muli %get3A_10, %mul3A_898 : vector<4x64x128xi32>
      %add3A_900 = arith.addi %add3A_897, %mul3A_899 : vector<4x64x128xi32>
      %mul3A_901 = arith.constant 8192 : i32
      %mul3A_902 = vector.broadcast %mul3A_901 : i32 to vector<4x1x1xi32>
      %mul3A_903 = arith.muli %add3A_892, %mul3A_902 : vector<4x1x1xi32>
      %add3A_904 = vector.broadcast %mul3A_903 : vector<4x1x1xi32> to vector<4x64x128xi32>
      %add3A_905 = arith.addi %add3A_24, %add3A_904 : vector<4x64x128xi32>
      %mul3A_906 = arith.constant 16384 : i32
      %mul3A_907 = vector.broadcast %mul3A_906 : i32 to vector<4x64x128xi32>
      %mul3A_908 = arith.muli %add3A_900, %mul3A_907 : vector<4x64x128xi32>
      %sub3A_909 = arith.subi %add3A_905, %mul3A_908 : vector<4x64x128xi32>
      %min3A_910 = arith.minsi %min3A_830, %sub3A_909 : vector<4x64x128xi32>
      %reduce_max3A_911 = arith.constant dense<-2147483648> : vector<4xi32>
      %reduce_max3A_912 = vector.multi_reduction <maxsi>, %min3A_910, %reduce_max3A_911 [1, 2] : vector<4x64x128xi32> to vector<4xi32>
      %broadcast_in_dim3A_913 = vector.shape_cast %reduce_max3A_912 : vector<4xi32> to vector<4x1x1xi32>
      %mul3A_914 = arith.constant 16 : i32
      %mul3A_915 = arith.muli %scan3A_42, %mul3A_914 : i32
      %add3A_916 = arith.constant 11 : i32
      %add3A_917 = arith.addi %mul3A_915, %add3A_916 : i32
      %eq3A_918 = vector.broadcast %broadcast_in_dim3A_913 : vector<4x1x1xi32> to vector<4x64x128xi32>
      %eq3A_919 = arith.cmpi eq, %min3A_910, %eq3A_918 : vector<4x64x128xi32>
      %jit3A_920 = arith.constant 0 : i32
      %broadcast_in_dim3A_921 = vector.broadcast %jit3A_920 : i32 to vector<4x64x128xi32>
      %select_n3A_922 = arith.select %eq3A_919, %add3A_32, %broadcast_in_dim3A_921 : vector<4x64x128xi1>, vector<4x64x128xi32>
      %reduce_max3A_923 = arith.constant dense<-2147483648> : vector<4xi32>
      %reduce_max3A_924 = vector.multi_reduction <maxsi>, %select_n3A_922, %reduce_max3A_923 [1, 2] : vector<4x64x128xi32> to vector<4xi32>
      %broadcast_in_dim3A_925 = vector.shape_cast %reduce_max3A_924 : vector<4xi32> to vector<4x1x1xi32>
      %and3A_926 = arith.constant 8191 : i32
      %and3A_927 = vector.broadcast %and3A_926 : i32 to vector<4x1x1xi32>
      %and3A_928 = arith.andi %broadcast_in_dim3A_913, %and3A_927 : vector<4x1x1xi32>
      %sub3A_929 = arith.constant 8191 : i32
      %sub3A_930 = vector.broadcast %sub3A_929 : i32 to vector<4x1x1xi32>
      %sub3A_931 = arith.subi %sub3A_930, %and3A_928 : vector<4x1x1xi32>
      %slice3A_932 = vector.extract_strided_slice %sub3A_931 {offsets = [0, 0, 0], sizes = [1, 1, 1], strides = [1, 1, 1]} : vector<4x1x1xi32> to vector<1x1x1xi32>
      %squeeze3A_933 = vector.shape_cast %slice3A_932 : vector<1x1x1xi32> to vector<1x1xi32>
      %slice3A_934 = vector.extract_strided_slice %sub3A_931 {offsets = [1, 0, 0], sizes = [1, 1, 1], strides = [1, 1, 1]} : vector<4x1x1xi32> to vector<1x1x1xi32>
      %squeeze3A_935 = vector.shape_cast %slice3A_934 : vector<1x1x1xi32> to vector<1x1xi32>
      %slice3A_936 = vector.extract_strided_slice %sub3A_931 {offsets = [2, 0, 0], sizes = [1, 1, 1], strides = [1, 1, 1]} : vector<4x1x1xi32> to vector<1x1x1xi32>
      %squeeze3A_937 = vector.shape_cast %slice3A_936 : vector<1x1x1xi32> to vector<1x1xi32>
      %slice3A_938 = vector.extract_strided_slice %sub3A_931 {offsets = [3, 0, 0], sizes = [1, 1, 1], strides = [1, 1, 1]} : vector<4x1x1xi32> to vector<1x1x1xi32>
      %squeeze3A_939 = vector.shape_cast %slice3A_938 : vector<1x1x1xi32> to vector<1x1xi32>
      %concatenate3A_940 = tpu.concatenate %squeeze3A_933, %squeeze3A_935, %squeeze3A_937, %squeeze3A_939 in 1 : vector<1x1xi32>, vector<1x1xi32>, vector<1x1xi32>, vector<1x1xi32> -> vector<1x4xi32>
      %swap3A_941 = arith.index_cast %add3A_917 : i32 to index
      %swap3A_942 = arith.constant 0 : index
      %swap3A_943 = vector.load %arg3[%swap3A_941, %swap3A_942] : memref<2048x4xi32, #tpu.memory_space<vmem>>, vector<1x4xi32>
      tpu.vector_store %arg3[%swap3A_941, %swap3A_942], %concatenate3A_940 {strides = array<i32>} : memref<2048x4xi32, #tpu.memory_space<vmem>>, vector<1x4xi32>,
      %slice3A_944 = vector.extract_strided_slice %broadcast_in_dim3A_925 {offsets = [0, 0, 0], sizes = [1, 1, 1], strides = [1, 1, 1]} : vector<4x1x1xi32> to vector<1x1x1xi32>
      %squeeze3A_945 = vector.shape_cast %slice3A_944 : vector<1x1x1xi32> to vector<1x1xi32>
      %slice3A_946 = vector.extract_strided_slice %broadcast_in_dim3A_925 {offsets = [1, 0, 0], sizes = [1, 1, 1], strides = [1, 1, 1]} : vector<4x1x1xi32> to vector<1x1x1xi32>
      %squeeze3A_947 = vector.shape_cast %slice3A_946 : vector<1x1x1xi32> to vector<1x1xi32>
      %slice3A_948 = vector.extract_strided_slice %broadcast_in_dim3A_925 {offsets = [2, 0, 0], sizes = [1, 1, 1], strides = [1, 1, 1]} : vector<4x1x1xi32> to vector<1x1x1xi32>
      %squeeze3A_949 = vector.shape_cast %slice3A_948 : vector<1x1x1xi32> to vector<1x1xi32>
      %slice3A_950 = vector.extract_strided_slice %broadcast_in_dim3A_925 {offsets = [3, 0, 0], sizes = [1, 1, 1], strides = [1, 1, 1]} : vector<4x1x1xi32> to vector<1x1x1xi32>
      %squeeze3A_951 = vector.shape_cast %slice3A_950 : vector<1x1x1xi32> to vector<1x1xi32>
      %concatenate3A_952 = tpu.concatenate %squeeze3A_945, %squeeze3A_947, %squeeze3A_949, %squeeze3A_951 in 1 : vector<1x1xi32>, vector<1x1xi32>, vector<1x1xi32>, vector<1x1xi32> -> vector<1x4xi32>
      %swap3A_953 = arith.index_cast %add3A_917 : i32 to index
      %swap3A_954 = arith.constant 0 : index
      %swap3A_955 = vector.load %arg4[%swap3A_953, %swap3A_954] : memref<2048x4xi32, #tpu.memory_space<vmem>>, vector<1x4xi32>
      tpu.vector_store %arg4[%swap3A_953, %swap3A_954], %concatenate3A_952 {strides = array<i32>} : memref<2048x4xi32, #tpu.memory_space<vmem>>, vector<1x4xi32>,
      %shift_right_arithmetic3A_956 = arith.constant 14 : i32
      %shift_right_arithmetic3A_957 = vector.broadcast %shift_right_arithmetic3A_956 : i32 to vector<4x1x1xi32>
      %shift_right_arithmetic3A_958 = arith.shrsi %broadcast_in_dim3A_925, %shift_right_arithmetic3A_957 : vector<4x1x1xi32>
      %shift_right_arithmetic3A_959 = arith.constant 7 : i32
      %shift_right_arithmetic3A_960 = vector.broadcast %shift_right_arithmetic3A_959 : i32 to vector<4x1x1xi32>
      %shift_right_arithmetic3A_961 = arith.shrsi %broadcast_in_dim3A_925, %shift_right_arithmetic3A_960 : vector<4x1x1xi32>
      %and3A_962 = arith.constant 127 : i32
      %and3A_963 = vector.broadcast %and3A_962 : i32 to vector<4x1x1xi32>
      %and3A_964 = arith.andi %shift_right_arithmetic3A_961, %and3A_963 : vector<4x1x1xi32>
      %and3A_965 = arith.constant 127 : i32
      %and3A_966 = vector.broadcast %and3A_965 : i32 to vector<4x1x1xi32>
      %and3A_967 = arith.andi %broadcast_in_dim3A_925, %and3A_966 : vector<4x1x1xi32>
      %mul3A_968 = arith.muli %shift_right_arithmetic3A_958, %shift_right_arithmetic3A_958 : vector<4x1x1xi32>
      %mul3A_969 = arith.muli %and3A_964, %and3A_964 : vector<4x1x1xi32>
      %add3A_970 = arith.addi %mul3A_968, %mul3A_969 : vector<4x1x1xi32>
      %mul3A_971 = arith.muli %and3A_967, %and3A_967 : vector<4x1x1xi32>
      %add3A_972 = arith.addi %add3A_970, %mul3A_971 : vector<4x1x1xi32>
      %mul3A_973 = vector.broadcast %shift_right_arithmetic3A_958 : vector<4x1x1xi32> to vector<4x64x128xi32>
      %mul3A_974 = arith.muli %get3A_2, %mul3A_973 : vector<4x64x128xi32>
      %mul3A_975 = vector.broadcast %and3A_964 : vector<4x1x1xi32> to vector<4x64x128xi32>
      %mul3A_976 = arith.muli %get3A_6, %mul3A_975 : vector<4x64x128xi32>
      %add3A_977 = arith.addi %mul3A_974, %mul3A_976 : vector<4x64x128xi32>
      %mul3A_978 = vector.broadcast %and3A_967 : vector<4x1x1xi32> to vector<4x64x128xi32>
      %mul3A_979 = arith.muli %get3A_10, %mul3A_978 : vector<4x64x128xi32>
      %add3A_980 = arith.addi %add3A_977, %mul3A_979 : vector<4x64x128xi32>
      %mul3A_981 = arith.constant 8192 : i32
      %mul3A_982 = vector.broadcast %mul3A_981 : i32 to vector<4x1x1xi32>
      %mul3A_983 = arith.muli %add3A_972, %mul3A_982 : vector<4x1x1xi32>
      %add3A_984 = vector.broadcast %mul3A_983 : vector<4x1x1xi32> to vector<4x64x128xi32>
      %add3A_985 = arith.addi %add3A_24, %add3A_984 : vector<4x64x128xi32>
      %mul3A_986 = arith.constant 16384 : i32
      %mul3A_987 = vector.broadcast %mul3A_986 : i32 to vector<4x64x128xi32>
      %mul3A_988 = arith.muli %add3A_980, %mul3A_987 : vector<4x64x128xi32>
      %sub3A_989 = arith.subi %add3A_985, %mul3A_988 : vector<4x64x128xi32>
      %min3A_990 = arith.minsi %min3A_910, %sub3A_989 : vector<4x64x128xi32>
      %reduce_max3A_991 = arith.constant dense<-2147483648> : vector<4xi32>
      %reduce_max3A_992 = vector.multi_reduction <maxsi>, %min3A_990, %reduce_max3A_991 [1, 2] : vector<4x64x128xi32> to vector<4xi32>
      %broadcast_in_dim3A_993 = vector.shape_cast %reduce_max3A_992 : vector<4xi32> to vector<4x1x1xi32>
      %mul3A_994 = arith.constant 16 : i32
      %mul3A_995 = arith.muli %scan3A_42, %mul3A_994 : i32
      %add3A_996 = arith.constant 12 : i32
      %add3A_997 = arith.addi %mul3A_995, %add3A_996 : i32
      %eq3A_998 = vector.broadcast %broadcast_in_dim3A_993 : vector<4x1x1xi32> to vector<4x64x128xi32>
      %eq3A_999 = arith.cmpi eq, %min3A_990, %eq3A_998 : vector<4x64x128xi32>
      %jit3A_1000 = arith.constant 0 : i32
      %broadcast_in_dim3A_1001 = vector.broadcast %jit3A_1000 : i32 to vector<4x64x128xi32>
      %select_n3A_1002 = arith.select %eq3A_999, %add3A_32, %broadcast_in_dim3A_1001 : vector<4x64x128xi1>, vector<4x64x128xi32>
      %reduce_max3A_1003 = arith.constant dense<-2147483648> : vector<4xi32>
      %reduce_max3A_1004 = vector.multi_reduction <maxsi>, %select_n3A_1002, %reduce_max3A_1003 [1, 2] : vector<4x64x128xi32> to vector<4xi32>
      %broadcast_in_dim3A_1005 = vector.shape_cast %reduce_max3A_1004 : vector<4xi32> to vector<4x1x1xi32>
      %and3A_1006 = arith.constant 8191 : i32
      %and3A_1007 = vector.broadcast %and3A_1006 : i32 to vector<4x1x1xi32>
      %and3A_1008 = arith.andi %broadcast_in_dim3A_993, %and3A_1007 : vector<4x1x1xi32>
      %sub3A_1009 = arith.constant 8191 : i32
      %sub3A_1010 = vector.broadcast %sub3A_1009 : i32 to vector<4x1x1xi32>
      %sub3A_1011 = arith.subi %sub3A_1010, %and3A_1008 : vector<4x1x1xi32>
      %slice3A_1012 = vector.extract_strided_slice %sub3A_1011 {offsets = [0, 0, 0], sizes = [1, 1, 1], strides = [1, 1, 1]} : vector<4x1x1xi32> to vector<1x1x1xi32>
      %squeeze3A_1013 = vector.shape_cast %slice3A_1012 : vector<1x1x1xi32> to vector<1x1xi32>
      %slice3A_1014 = vector.extract_strided_slice %sub3A_1011 {offsets = [1, 0, 0], sizes = [1, 1, 1], strides = [1, 1, 1]} : vector<4x1x1xi32> to vector<1x1x1xi32>
      %squeeze3A_1015 = vector.shape_cast %slice3A_1014 : vector<1x1x1xi32> to vector<1x1xi32>
      %slice3A_1016 = vector.extract_strided_slice %sub3A_1011 {offsets = [2, 0, 0], sizes = [1, 1, 1], strides = [1, 1, 1]} : vector<4x1x1xi32> to vector<1x1x1xi32>
      %squeeze3A_1017 = vector.shape_cast %slice3A_1016 : vector<1x1x1xi32> to vector<1x1xi32>
      %slice3A_1018 = vector.extract_strided_slice %sub3A_1011 {offsets = [3, 0, 0], sizes = [1, 1, 1], strides = [1, 1, 1]} : vector<4x1x1xi32> to vector<1x1x1xi32>
      %squeeze3A_1019 = vector.shape_cast %slice3A_1018 : vector<1x1x1xi32> to vector<1x1xi32>
      %concatenate3A_1020 = tpu.concatenate %squeeze3A_1013, %squeeze3A_1015, %squeeze3A_1017, %squeeze3A_1019 in 1 : vector<1x1xi32>, vector<1x1xi32>, vector<1x1xi32>, vector<1x1xi32> -> vector<1x4xi32>
      %swap3A_1021 = arith.index_cast %add3A_997 : i32 to index
      %swap3A_1022 = arith.constant 0 : index
      %swap3A_1023 = vector.load %arg3[%swap3A_1021, %swap3A_1022] : memref<2048x4xi32, #tpu.memory_space<vmem>>, vector<1x4xi32>
      tpu.vector_store %arg3[%swap3A_1021, %swap3A_1022], %concatenate3A_1020 {strides = array<i32>} : memref<2048x4xi32, #tpu.memory_space<vmem>>, vector<1x4xi32>,
      %slice3A_1024 = vector.extract_strided_slice %broadcast_in_dim3A_1005 {offsets = [0, 0, 0], sizes = [1, 1, 1], strides = [1, 1, 1]} : vector<4x1x1xi32> to vector<1x1x1xi32>
      %squeeze3A_1025 = vector.shape_cast %slice3A_1024 : vector<1x1x1xi32> to vector<1x1xi32>
      %slice3A_1026 = vector.extract_strided_slice %broadcast_in_dim3A_1005 {offsets = [1, 0, 0], sizes = [1, 1, 1], strides = [1, 1, 1]} : vector<4x1x1xi32> to vector<1x1x1xi32>
      %squeeze3A_1027 = vector.shape_cast %slice3A_1026 : vector<1x1x1xi32> to vector<1x1xi32>
      %slice3A_1028 = vector.extract_strided_slice %broadcast_in_dim3A_1005 {offsets = [2, 0, 0], sizes = [1, 1, 1], strides = [1, 1, 1]} : vector<4x1x1xi32> to vector<1x1x1xi32>
      %squeeze3A_1029 = vector.shape_cast %slice3A_1028 : vector<1x1x1xi32> to vector<1x1xi32>
      %slice3A_1030 = vector.extract_strided_slice %broadcast_in_dim3A_1005 {offsets = [3, 0, 0], sizes = [1, 1, 1], strides = [1, 1, 1]} : vector<4x1x1xi32> to vector<1x1x1xi32>
      %squeeze3A_1031 = vector.shape_cast %slice3A_1030 : vector<1x1x1xi32> to vector<1x1xi32>
      %concatenate3A_1032 = tpu.concatenate %squeeze3A_1025, %squeeze3A_1027, %squeeze3A_1029, %squeeze3A_1031 in 1 : vector<1x1xi32>, vector<1x1xi32>, vector<1x1xi32>, vector<1x1xi32> -> vector<1x4xi32>
      %swap3A_1033 = arith.index_cast %add3A_997 : i32 to index
      %swap3A_1034 = arith.constant 0 : index
      %swap3A_1035 = vector.load %arg4[%swap3A_1033, %swap3A_1034] : memref<2048x4xi32, #tpu.memory_space<vmem>>, vector<1x4xi32>
      tpu.vector_store %arg4[%swap3A_1033, %swap3A_1034], %concatenate3A_1032 {strides = array<i32>} : memref<2048x4xi32, #tpu.memory_space<vmem>>, vector<1x4xi32>,
      %shift_right_arithmetic3A_1036 = arith.constant 14 : i32
      %shift_right_arithmetic3A_1037 = vector.broadcast %shift_right_arithmetic3A_1036 : i32 to vector<4x1x1xi32>
      %shift_right_arithmetic3A_1038 = arith.shrsi %broadcast_in_dim3A_1005, %shift_right_arithmetic3A_1037 : vector<4x1x1xi32>
      %shift_right_arithmetic3A_1039 = arith.constant 7 : i32
      %shift_right_arithmetic3A_1040 = vector.broadcast %shift_right_arithmetic3A_1039 : i32 to vector<4x1x1xi32>
      %shift_right_arithmetic3A_1041 = arith.shrsi %broadcast_in_dim3A_1005, %shift_right_arithmetic3A_1040 : vector<4x1x1xi32>
      %and3A_1042 = arith.constant 127 : i32
      %and3A_1043 = vector.broadcast %and3A_1042 : i32 to vector<4x1x1xi32>
      %and3A_1044 = arith.andi %shift_right_arithmetic3A_1041, %and3A_1043 : vector<4x1x1xi32>
      %and3A_1045 = arith.constant 127 : i32
      %and3A_1046 = vector.broadcast %and3A_1045 : i32 to vector<4x1x1xi32>
      %and3A_1047 = arith.andi %broadcast_in_dim3A_1005, %and3A_1046 : vector<4x1x1xi32>
      %mul3A_1048 = arith.muli %shift_right_arithmetic3A_1038, %shift_right_arithmetic3A_1038 : vector<4x1x1xi32>
      %mul3A_1049 = arith.muli %and3A_1044, %and3A_1044 : vector<4x1x1xi32>
      %add3A_1050 = arith.addi %mul3A_1048, %mul3A_1049 : vector<4x1x1xi32>
      %mul3A_1051 = arith.muli %and3A_1047, %and3A_1047 : vector<4x1x1xi32>
      %add3A_1052 = arith.addi %add3A_1050, %mul3A_1051 : vector<4x1x1xi32>
      %mul3A_1053 = vector.broadcast %shift_right_arithmetic3A_1038 : vector<4x1x1xi32> to vector<4x64x128xi32>
      %mul3A_1054 = arith.muli %get3A_2, %mul3A_1053 : vector<4x64x128xi32>
      %mul3A_1055 = vector.broadcast %and3A_1044 : vector<4x1x1xi32> to vector<4x64x128xi32>
      %mul3A_1056 = arith.muli %get3A_6, %mul3A_1055 : vector<4x64x128xi32>
      %add3A_1057 = arith.addi %mul3A_1054, %mul3A_1056 : vector<4x64x128xi32>
      %mul3A_1058 = vector.broadcast %and3A_1047 : vector<4x1x1xi32> to vector<4x64x128xi32>
      %mul3A_1059 = arith.muli %get3A_10, %mul3A_1058 : vector<4x64x128xi32>
      %add3A_1060 = arith.addi %add3A_1057, %mul3A_1059 : vector<4x64x128xi32>
      %mul3A_1061 = arith.constant 8192 : i32
      %mul3A_1062 = vector.broadcast %mul3A_1061 : i32 to vector<4x1x1xi32>
      %mul3A_1063 = arith.muli %add3A_1052, %mul3A_1062 : vector<4x1x1xi32>
      %add3A_1064 = vector.broadcast %mul3A_1063 : vector<4x1x1xi32> to vector<4x64x128xi32>
      %add3A_1065 = arith.addi %add3A_24, %add3A_1064 : vector<4x64x128xi32>
      %mul3A_1066 = arith.constant 16384 : i32
      %mul3A_1067 = vector.broadcast %mul3A_1066 : i32 to vector<4x64x128xi32>
      %mul3A_1068 = arith.muli %add3A_1060, %mul3A_1067 : vector<4x64x128xi32>
      %sub3A_1069 = arith.subi %add3A_1065, %mul3A_1068 : vector<4x64x128xi32>
      %min3A_1070 = arith.minsi %min3A_990, %sub3A_1069 : vector<4x64x128xi32>
      %reduce_max3A_1071 = arith.constant dense<-2147483648> : vector<4xi32>
      %reduce_max3A_1072 = vector.multi_reduction <maxsi>, %min3A_1070, %reduce_max3A_1071 [1, 2] : vector<4x64x128xi32> to vector<4xi32>
      %broadcast_in_dim3A_1073 = vector.shape_cast %reduce_max3A_1072 : vector<4xi32> to vector<4x1x1xi32>
      %mul3A_1074 = arith.constant 16 : i32
      %mul3A_1075 = arith.muli %scan3A_42, %mul3A_1074 : i32
      %add3A_1076 = arith.constant 13 : i32
      %add3A_1077 = arith.addi %mul3A_1075, %add3A_1076 : i32
      %eq3A_1078 = vector.broadcast %broadcast_in_dim3A_1073 : vector<4x1x1xi32> to vector<4x64x128xi32>
      %eq3A_1079 = arith.cmpi eq, %min3A_1070, %eq3A_1078 : vector<4x64x128xi32>
      %jit3A_1080 = arith.constant 0 : i32
      %broadcast_in_dim3A_1081 = vector.broadcast %jit3A_1080 : i32 to vector<4x64x128xi32>
      %select_n3A_1082 = arith.select %eq3A_1079, %add3A_32, %broadcast_in_dim3A_1081 : vector<4x64x128xi1>, vector<4x64x128xi32>
      %reduce_max3A_1083 = arith.constant dense<-2147483648> : vector<4xi32>
      %reduce_max3A_1084 = vector.multi_reduction <maxsi>, %select_n3A_1082, %reduce_max3A_1083 [1, 2] : vector<4x64x128xi32> to vector<4xi32>
      %broadcast_in_dim3A_1085 = vector.shape_cast %reduce_max3A_1084 : vector<4xi32> to vector<4x1x1xi32>
      %and3A_1086 = arith.constant 8191 : i32
      %and3A_1087 = vector.broadcast %and3A_1086 : i32 to vector<4x1x1xi32>
      %and3A_1088 = arith.andi %broadcast_in_dim3A_1073, %and3A_1087 : vector<4x1x1xi32>
      %sub3A_1089 = arith.constant 8191 : i32
      %sub3A_1090 = vector.broadcast %sub3A_1089 : i32 to vector<4x1x1xi32>
      %sub3A_1091 = arith.subi %sub3A_1090, %and3A_1088 : vector<4x1x1xi32>
      %slice3A_1092 = vector.extract_strided_slice %sub3A_1091 {offsets = [0, 0, 0], sizes = [1, 1, 1], strides = [1, 1, 1]} : vector<4x1x1xi32> to vector<1x1x1xi32>
      %squeeze3A_1093 = vector.shape_cast %slice3A_1092 : vector<1x1x1xi32> to vector<1x1xi32>
      %slice3A_1094 = vector.extract_strided_slice %sub3A_1091 {offsets = [1, 0, 0], sizes = [1, 1, 1], strides = [1, 1, 1]} : vector<4x1x1xi32> to vector<1x1x1xi32>
      %squeeze3A_1095 = vector.shape_cast %slice3A_1094 : vector<1x1x1xi32> to vector<1x1xi32>
      %slice3A_1096 = vector.extract_strided_slice %sub3A_1091 {offsets = [2, 0, 0], sizes = [1, 1, 1], strides = [1, 1, 1]} : vector<4x1x1xi32> to vector<1x1x1xi32>
      %squeeze3A_1097 = vector.shape_cast %slice3A_1096 : vector<1x1x1xi32> to vector<1x1xi32>
      %slice3A_1098 = vector.extract_strided_slice %sub3A_1091 {offsets = [3, 0, 0], sizes = [1, 1, 1], strides = [1, 1, 1]} : vector<4x1x1xi32> to vector<1x1x1xi32>
      %squeeze3A_1099 = vector.shape_cast %slice3A_1098 : vector<1x1x1xi32> to vector<1x1xi32>
      %concatenate3A_1100 = tpu.concatenate %squeeze3A_1093, %squeeze3A_1095, %squeeze3A_1097, %squeeze3A_1099 in 1 : vector<1x1xi32>, vector<1x1xi32>, vector<1x1xi32>, vector<1x1xi32> -> vector<1x4xi32>
      %swap3A_1101 = arith.index_cast %add3A_1077 : i32 to index
      %swap3A_1102 = arith.constant 0 : index
      %swap3A_1103 = vector.load %arg3[%swap3A_1101, %swap3A_1102] : memref<2048x4xi32, #tpu.memory_space<vmem>>, vector<1x4xi32>
      tpu.vector_store %arg3[%swap3A_1101, %swap3A_1102], %concatenate3A_1100 {strides = array<i32>} : memref<2048x4xi32, #tpu.memory_space<vmem>>, vector<1x4xi32>,
      %slice3A_1104 = vector.extract_strided_slice %broadcast_in_dim3A_1085 {offsets = [0, 0, 0], sizes = [1, 1, 1], strides = [1, 1, 1]} : vector<4x1x1xi32> to vector<1x1x1xi32>
      %squeeze3A_1105 = vector.shape_cast %slice3A_1104 : vector<1x1x1xi32> to vector<1x1xi32>
      %slice3A_1106 = vector.extract_strided_slice %broadcast_in_dim3A_1085 {offsets = [1, 0, 0], sizes = [1, 1, 1], strides = [1, 1, 1]} : vector<4x1x1xi32> to vector<1x1x1xi32>
      %squeeze3A_1107 = vector.shape_cast %slice3A_1106 : vector<1x1x1xi32> to vector<1x1xi32>
      %slice3A_1108 = vector.extract_strided_slice %broadcast_in_dim3A_1085 {offsets = [2, 0, 0], sizes = [1, 1, 1], strides = [1, 1, 1]} : vector<4x1x1xi32> to vector<1x1x1xi32>
      %squeeze3A_1109 = vector.shape_cast %slice3A_1108 : vector<1x1x1xi32> to vector<1x1xi32>
      %slice3A_1110 = vector.extract_strided_slice %broadcast_in_dim3A_1085 {offsets = [3, 0, 0], sizes = [1, 1, 1], strides = [1, 1, 1]} : vector<4x1x1xi32> to vector<1x1x1xi32>
      %squeeze3A_1111 = vector.shape_cast %slice3A_1110 : vector<1x1x1xi32> to vector<1x1xi32>
      %concatenate3A_1112 = tpu.concatenate %squeeze3A_1105, %squeeze3A_1107, %squeeze3A_1109, %squeeze3A_1111 in 1 : vector<1x1xi32>, vector<1x1xi32>, vector<1x1xi32>, vector<1x1xi32> -> vector<1x4xi32>
      %swap3A_1113 = arith.index_cast %add3A_1077 : i32 to index
      %swap3A_1114 = arith.constant 0 : index
      %swap3A_1115 = vector.load %arg4[%swap3A_1113, %swap3A_1114] : memref<2048x4xi32, #tpu.memory_space<vmem>>, vector<1x4xi32>
      tpu.vector_store %arg4[%swap3A_1113, %swap3A_1114], %concatenate3A_1112 {strides = array<i32>} : memref<2048x4xi32, #tpu.memory_space<vmem>>, vector<1x4xi32>,
      %shift_right_arithmetic3A_1116 = arith.constant 14 : i32
      %shift_right_arithmetic3A_1117 = vector.broadcast %shift_right_arithmetic3A_1116 : i32 to vector<4x1x1xi32>
      %shift_right_arithmetic3A_1118 = arith.shrsi %broadcast_in_dim3A_1085, %shift_right_arithmetic3A_1117 : vector<4x1x1xi32>
      %shift_right_arithmetic3A_1119 = arith.constant 7 : i32
      %shift_right_arithmetic3A_1120 = vector.broadcast %shift_right_arithmetic3A_1119 : i32 to vector<4x1x1xi32>
      %shift_right_arithmetic3A_1121 = arith.shrsi %broadcast_in_dim3A_1085, %shift_right_arithmetic3A_1120 : vector<4x1x1xi32>
      %and3A_1122 = arith.constant 127 : i32
      %and3A_1123 = vector.broadcast %and3A_1122 : i32 to vector<4x1x1xi32>
      %and3A_1124 = arith.andi %shift_right_arithmetic3A_1121, %and3A_1123 : vector<4x1x1xi32>
      %and3A_1125 = arith.constant 127 : i32
      %and3A_1126 = vector.broadcast %and3A_1125 : i32 to vector<4x1x1xi32>
      %and3A_1127 = arith.andi %broadcast_in_dim3A_1085, %and3A_1126 : vector<4x1x1xi32>
      %mul3A_1128 = arith.muli %shift_right_arithmetic3A_1118, %shift_right_arithmetic3A_1118 : vector<4x1x1xi32>
      %mul3A_1129 = arith.muli %and3A_1124, %and3A_1124 : vector<4x1x1xi32>
      %add3A_1130 = arith.addi %mul3A_1128, %mul3A_1129 : vector<4x1x1xi32>
      %mul3A_1131 = arith.muli %and3A_1127, %and3A_1127 : vector<4x1x1xi32>
      %add3A_1132 = arith.addi %add3A_1130, %mul3A_1131 : vector<4x1x1xi32>
      %mul3A_1133 = vector.broadcast %shift_right_arithmetic3A_1118 : vector<4x1x1xi32> to vector<4x64x128xi32>
      %mul3A_1134 = arith.muli %get3A_2, %mul3A_1133 : vector<4x64x128xi32>
      %mul3A_1135 = vector.broadcast %and3A_1124 : vector<4x1x1xi32> to vector<4x64x128xi32>
      %mul3A_1136 = arith.muli %get3A_6, %mul3A_1135 : vector<4x64x128xi32>
      %add3A_1137 = arith.addi %mul3A_1134, %mul3A_1136 : vector<4x64x128xi32>
      %mul3A_1138 = vector.broadcast %and3A_1127 : vector<4x1x1xi32> to vector<4x64x128xi32>
      %mul3A_1139 = arith.muli %get3A_10, %mul3A_1138 : vector<4x64x128xi32>
      %add3A_1140 = arith.addi %add3A_1137, %mul3A_1139 : vector<4x64x128xi32>
      %mul3A_1141 = arith.constant 8192 : i32
      %mul3A_1142 = vector.broadcast %mul3A_1141 : i32 to vector<4x1x1xi32>
      %mul3A_1143 = arith.muli %add3A_1132, %mul3A_1142 : vector<4x1x1xi32>
      %add3A_1144 = vector.broadcast %mul3A_1143 : vector<4x1x1xi32> to vector<4x64x128xi32>
      %add3A_1145 = arith.addi %add3A_24, %add3A_1144 : vector<4x64x128xi32>
      %mul3A_1146 = arith.constant 16384 : i32
      %mul3A_1147 = vector.broadcast %mul3A_1146 : i32 to vector<4x64x128xi32>
      %mul3A_1148 = arith.muli %add3A_1140, %mul3A_1147 : vector<4x64x128xi32>
      %sub3A_1149 = arith.subi %add3A_1145, %mul3A_1148 : vector<4x64x128xi32>
      %min3A_1150 = arith.minsi %min3A_1070, %sub3A_1149 : vector<4x64x128xi32>
      %reduce_max3A_1151 = arith.constant dense<-2147483648> : vector<4xi32>
      %reduce_max3A_1152 = vector.multi_reduction <maxsi>, %min3A_1150, %reduce_max3A_1151 [1, 2] : vector<4x64x128xi32> to vector<4xi32>
      %broadcast_in_dim3A_1153 = vector.shape_cast %reduce_max3A_1152 : vector<4xi32> to vector<4x1x1xi32>
      %mul3A_1154 = arith.constant 16 : i32
      %mul3A_1155 = arith.muli %scan3A_42, %mul3A_1154 : i32
      %add3A_1156 = arith.constant 14 : i32
      %add3A_1157 = arith.addi %mul3A_1155, %add3A_1156 : i32
      %eq3A_1158 = vector.broadcast %broadcast_in_dim3A_1153 : vector<4x1x1xi32> to vector<4x64x128xi32>
      %eq3A_1159 = arith.cmpi eq, %min3A_1150, %eq3A_1158 : vector<4x64x128xi32>
      %jit3A_1160 = arith.constant 0 : i32
      %broadcast_in_dim3A_1161 = vector.broadcast %jit3A_1160 : i32 to vector<4x64x128xi32>
      %select_n3A_1162 = arith.select %eq3A_1159, %add3A_32, %broadcast_in_dim3A_1161 : vector<4x64x128xi1>, vector<4x64x128xi32>
      %reduce_max3A_1163 = arith.constant dense<-2147483648> : vector<4xi32>
      %reduce_max3A_1164 = vector.multi_reduction <maxsi>, %select_n3A_1162, %reduce_max3A_1163 [1, 2] : vector<4x64x128xi32> to vector<4xi32>
      %broadcast_in_dim3A_1165 = vector.shape_cast %reduce_max3A_1164 : vector<4xi32> to vector<4x1x1xi32>
      %and3A_1166 = arith.constant 8191 : i32
      %and3A_1167 = vector.broadcast %and3A_1166 : i32 to vector<4x1x1xi32>
      %and3A_1168 = arith.andi %broadcast_in_dim3A_1153, %and3A_1167 : vector<4x1x1xi32>
      %sub3A_1169 = arith.constant 8191 : i32
      %sub3A_1170 = vector.broadcast %sub3A_1169 : i32 to vector<4x1x1xi32>
      %sub3A_1171 = arith.subi %sub3A_1170, %and3A_1168 : vector<4x1x1xi32>
      %slice3A_1172 = vector.extract_strided_slice %sub3A_1171 {offsets = [0, 0, 0], sizes = [1, 1, 1], strides = [1, 1, 1]} : vector<4x1x1xi32> to vector<1x1x1xi32>
      %squeeze3A_1173 = vector.shape_cast %slice3A_1172 : vector<1x1x1xi32> to vector<1x1xi32>
      %slice3A_1174 = vector.extract_strided_slice %sub3A_1171 {offsets = [1, 0, 0], sizes = [1, 1, 1], strides = [1, 1, 1]} : vector<4x1x1xi32> to vector<1x1x1xi32>
      %squeeze3A_1175 = vector.shape_cast %slice3A_1174 : vector<1x1x1xi32> to vector<1x1xi32>
      %slice3A_1176 = vector.extract_strided_slice %sub3A_1171 {offsets = [2, 0, 0], sizes = [1, 1, 1], strides = [1, 1, 1]} : vector<4x1x1xi32> to vector<1x1x1xi32>
      %squeeze3A_1177 = vector.shape_cast %slice3A_1176 : vector<1x1x1xi32> to vector<1x1xi32>
      %slice3A_1178 = vector.extract_strided_slice %sub3A_1171 {offsets = [3, 0, 0], sizes = [1, 1, 1], strides = [1, 1, 1]} : vector<4x1x1xi32> to vector<1x1x1xi32>
      %squeeze3A_1179 = vector.shape_cast %slice3A_1178 : vector<1x1x1xi32> to vector<1x1xi32>
      %concatenate3A_1180 = tpu.concatenate %squeeze3A_1173, %squeeze3A_1175, %squeeze3A_1177, %squeeze3A_1179 in 1 : vector<1x1xi32>, vector<1x1xi32>, vector<1x1xi32>, vector<1x1xi32> -> vector<1x4xi32>
      %swap3A_1181 = arith.index_cast %add3A_1157 : i32 to index
      %swap3A_1182 = arith.constant 0 : index
      %swap3A_1183 = vector.load %arg3[%swap3A_1181, %swap3A_1182] : memref<2048x4xi32, #tpu.memory_space<vmem>>, vector<1x4xi32>
      tpu.vector_store %arg3[%swap3A_1181, %swap3A_1182], %concatenate3A_1180 {strides = array<i32>} : memref<2048x4xi32, #tpu.memory_space<vmem>>, vector<1x4xi32>,
      %slice3A_1184 = vector.extract_strided_slice %broadcast_in_dim3A_1165 {offsets = [0, 0, 0], sizes = [1, 1, 1], strides = [1, 1, 1]} : vector<4x1x1xi32> to vector<1x1x1xi32>
      %squeeze3A_1185 = vector.shape_cast %slice3A_1184 : vector<1x1x1xi32> to vector<1x1xi32>
      %slice3A_1186 = vector.extract_strided_slice %broadcast_in_dim3A_1165 {offsets = [1, 0, 0], sizes = [1, 1, 1], strides = [1, 1, 1]} : vector<4x1x1xi32> to vector<1x1x1xi32>
      %squeeze3A_1187 = vector.shape_cast %slice3A_1186 : vector<1x1x1xi32> to vector<1x1xi32>
      %slice3A_1188 = vector.extract_strided_slice %broadcast_in_dim3A_1165 {offsets = [2, 0, 0], sizes = [1, 1, 1], strides = [1, 1, 1]} : vector<4x1x1xi32> to vector<1x1x1xi32>
      %squeeze3A_1189 = vector.shape_cast %slice3A_1188 : vector<1x1x1xi32> to vector<1x1xi32>
      %slice3A_1190 = vector.extract_strided_slice %broadcast_in_dim3A_1165 {offsets = [3, 0, 0], sizes = [1, 1, 1], strides = [1, 1, 1]} : vector<4x1x1xi32> to vector<1x1x1xi32>
      %squeeze3A_1191 = vector.shape_cast %slice3A_1190 : vector<1x1x1xi32> to vector<1x1xi32>
      %concatenate3A_1192 = tpu.concatenate %squeeze3A_1185, %squeeze3A_1187, %squeeze3A_1189, %squeeze3A_1191 in 1 : vector<1x1xi32>, vector<1x1xi32>, vector<1x1xi32>, vector<1x1xi32> -> vector<1x4xi32>
      %swap3A_1193 = arith.index_cast %add3A_1157 : i32 to index
      %swap3A_1194 = arith.constant 0 : index
      %swap3A_1195 = vector.load %arg4[%swap3A_1193, %swap3A_1194] : memref<2048x4xi32, #tpu.memory_space<vmem>>, vector<1x4xi32>
      tpu.vector_store %arg4[%swap3A_1193, %swap3A_1194], %concatenate3A_1192 {strides = array<i32>} : memref<2048x4xi32, #tpu.memory_space<vmem>>, vector<1x4xi32>,
      %shift_right_arithmetic3A_1196 = arith.constant 14 : i32
      %shift_right_arithmetic3A_1197 = vector.broadcast %shift_right_arithmetic3A_1196 : i32 to vector<4x1x1xi32>
      %shift_right_arithmetic3A_1198 = arith.shrsi %broadcast_in_dim3A_1165, %shift_right_arithmetic3A_1197 : vector<4x1x1xi32>
      %shift_right_arithmetic3A_1199 = arith.constant 7 : i32
      %shift_right_arithmetic3A_1200 = vector.broadcast %shift_right_arithmetic3A_1199 : i32 to vector<4x1x1xi32>
      %shift_right_arithmetic3A_1201 = arith.shrsi %broadcast_in_dim3A_1165, %shift_right_arithmetic3A_1200 : vector<4x1x1xi32>
      %and3A_1202 = arith.constant 127 : i32
      %and3A_1203 = vector.broadcast %and3A_1202 : i32 to vector<4x1x1xi32>
      %and3A_1204 = arith.andi %shift_right_arithmetic3A_1201, %and3A_1203 : vector<4x1x1xi32>
      %and3A_1205 = arith.constant 127 : i32
      %and3A_1206 = vector.broadcast %and3A_1205 : i32 to vector<4x1x1xi32>
      %and3A_1207 = arith.andi %broadcast_in_dim3A_1165, %and3A_1206 : vector<4x1x1xi32>
      %mul3A_1208 = arith.muli %shift_right_arithmetic3A_1198, %shift_right_arithmetic3A_1198 : vector<4x1x1xi32>
      %mul3A_1209 = arith.muli %and3A_1204, %and3A_1204 : vector<4x1x1xi32>
      %add3A_1210 = arith.addi %mul3A_1208, %mul3A_1209 : vector<4x1x1xi32>
      %mul3A_1211 = arith.muli %and3A_1207, %and3A_1207 : vector<4x1x1xi32>
      %add3A_1212 = arith.addi %add3A_1210, %mul3A_1211 : vector<4x1x1xi32>
      %mul3A_1213 = vector.broadcast %shift_right_arithmetic3A_1198 : vector<4x1x1xi32> to vector<4x64x128xi32>
      %mul3A_1214 = arith.muli %get3A_2, %mul3A_1213 : vector<4x64x128xi32>
      %mul3A_1215 = vector.broadcast %and3A_1204 : vector<4x1x1xi32> to vector<4x64x128xi32>
      %mul3A_1216 = arith.muli %get3A_6, %mul3A_1215 : vector<4x64x128xi32>
      %add3A_1217 = arith.addi %mul3A_1214, %mul3A_1216 : vector<4x64x128xi32>
      %mul3A_1218 = vector.broadcast %and3A_1207 : vector<4x1x1xi32> to vector<4x64x128xi32>
      %mul3A_1219 = arith.muli %get3A_10, %mul3A_1218 : vector<4x64x128xi32>
      %add3A_1220 = arith.addi %add3A_1217, %mul3A_1219 : vector<4x64x128xi32>
      %mul3A_1221 = arith.constant 8192 : i32
      %mul3A_1222 = vector.broadcast %mul3A_1221 : i32 to vector<4x1x1xi32>
      %mul3A_1223 = arith.muli %add3A_1212, %mul3A_1222 : vector<4x1x1xi32>
      %add3A_1224 = vector.broadcast %mul3A_1223 : vector<4x1x1xi32> to vector<4x64x128xi32>
      %add3A_1225 = arith.addi %add3A_24, %add3A_1224 : vector<4x64x128xi32>
      %mul3A_1226 = arith.constant 16384 : i32
      %mul3A_1227 = vector.broadcast %mul3A_1226 : i32 to vector<4x64x128xi32>
      %mul3A_1228 = arith.muli %add3A_1220, %mul3A_1227 : vector<4x64x128xi32>
      %sub3A_1229 = arith.subi %add3A_1225, %mul3A_1228 : vector<4x64x128xi32>
      %min3A_1230 = arith.minsi %min3A_1150, %sub3A_1229 : vector<4x64x128xi32>
      %reduce_max3A_1231 = arith.constant dense<-2147483648> : vector<4xi32>
      %reduce_max3A_1232 = vector.multi_reduction <maxsi>, %min3A_1230, %reduce_max3A_1231 [1, 2] : vector<4x64x128xi32> to vector<4xi32>
      %broadcast_in_dim3A_1233 = vector.shape_cast %reduce_max3A_1232 : vector<4xi32> to vector<4x1x1xi32>
      %mul3A_1234 = arith.constant 16 : i32
      %mul3A_1235 = arith.muli %scan3A_42, %mul3A_1234 : i32
      %add3A_1236 = arith.constant 15 : i32
      %add3A_1237 = arith.addi %mul3A_1235, %add3A_1236 : i32
      %eq3A_1238 = vector.broadcast %broadcast_in_dim3A_1233 : vector<4x1x1xi32> to vector<4x64x128xi32>
      %eq3A_1239 = arith.cmpi eq, %min3A_1230, %eq3A_1238 : vector<4x64x128xi32>
      %jit3A_1240 = arith.constant 0 : i32
      %broadcast_in_dim3A_1241 = vector.broadcast %jit3A_1240 : i32 to vector<4x64x128xi32>
      %select_n3A_1242 = arith.select %eq3A_1239, %add3A_32, %broadcast_in_dim3A_1241 : vector<4x64x128xi1>, vector<4x64x128xi32>
      %reduce_max3A_1243 = arith.constant dense<-2147483648> : vector<4xi32>
      %reduce_max3A_1244 = vector.multi_reduction <maxsi>, %select_n3A_1242, %reduce_max3A_1243 [1, 2] : vector<4x64x128xi32> to vector<4xi32>
      %broadcast_in_dim3A_1245 = vector.shape_cast %reduce_max3A_1244 : vector<4xi32> to vector<4x1x1xi32>
      %and3A_1246 = arith.constant 8191 : i32
      %and3A_1247 = vector.broadcast %and3A_1246 : i32 to vector<4x1x1xi32>
      %and3A_1248 = arith.andi %broadcast_in_dim3A_1233, %and3A_1247 : vector<4x1x1xi32>
      %sub3A_1249 = arith.constant 8191 : i32
      %sub3A_1250 = vector.broadcast %sub3A_1249 : i32 to vector<4x1x1xi32>
      %sub3A_1251 = arith.subi %sub3A_1250, %and3A_1248 : vector<4x1x1xi32>
      %slice3A_1252 = vector.extract_strided_slice %sub3A_1251 {offsets = [0, 0, 0], sizes = [1, 1, 1], strides = [1, 1, 1]} : vector<4x1x1xi32> to vector<1x1x1xi32>
      %squeeze3A_1253 = vector.shape_cast %slice3A_1252 : vector<1x1x1xi32> to vector<1x1xi32>
      %slice3A_1254 = vector.extract_strided_slice %sub3A_1251 {offsets = [1, 0, 0], sizes = [1, 1, 1], strides = [1, 1, 1]} : vector<4x1x1xi32> to vector<1x1x1xi32>
      %squeeze3A_1255 = vector.shape_cast %slice3A_1254 : vector<1x1x1xi32> to vector<1x1xi32>
      %slice3A_1256 = vector.extract_strided_slice %sub3A_1251 {offsets = [2, 0, 0], sizes = [1, 1, 1], strides = [1, 1, 1]} : vector<4x1x1xi32> to vector<1x1x1xi32>
      %squeeze3A_1257 = vector.shape_cast %slice3A_1256 : vector<1x1x1xi32> to vector<1x1xi32>
      %slice3A_1258 = vector.extract_strided_slice %sub3A_1251 {offsets = [3, 0, 0], sizes = [1, 1, 1], strides = [1, 1, 1]} : vector<4x1x1xi32> to vector<1x1x1xi32>
      %squeeze3A_1259 = vector.shape_cast %slice3A_1258 : vector<1x1x1xi32> to vector<1x1xi32>
      %concatenate3A_1260 = tpu.concatenate %squeeze3A_1253, %squeeze3A_1255, %squeeze3A_1257, %squeeze3A_1259 in 1 : vector<1x1xi32>, vector<1x1xi32>, vector<1x1xi32>, vector<1x1xi32> -> vector<1x4xi32>
      %swap3A_1261 = arith.index_cast %add3A_1237 : i32 to index
      %swap3A_1262 = arith.constant 0 : index
      %swap3A_1263 = vector.load %arg3[%swap3A_1261, %swap3A_1262] : memref<2048x4xi32, #tpu.memory_space<vmem>>, vector<1x4xi32>
      tpu.vector_store %arg3[%swap3A_1261, %swap3A_1262], %concatenate3A_1260 {strides = array<i32>} : memref<2048x4xi32, #tpu.memory_space<vmem>>, vector<1x4xi32>,
      %slice3A_1264 = vector.extract_strided_slice %broadcast_in_dim3A_1245 {offsets = [0, 0, 0], sizes = [1, 1, 1], strides = [1, 1, 1]} : vector<4x1x1xi32> to vector<1x1x1xi32>
      %squeeze3A_1265 = vector.shape_cast %slice3A_1264 : vector<1x1x1xi32> to vector<1x1xi32>
      %slice3A_1266 = vector.extract_strided_slice %broadcast_in_dim3A_1245 {offsets = [1, 0, 0], sizes = [1, 1, 1], strides = [1, 1, 1]} : vector<4x1x1xi32> to vector<1x1x1xi32>
      %squeeze3A_1267 = vector.shape_cast %slice3A_1266 : vector<1x1x1xi32> to vector<1x1xi32>
      %slice3A_1268 = vector.extract_strided_slice %broadcast_in_dim3A_1245 {offsets = [2, 0, 0], sizes = [1, 1, 1], strides = [1, 1, 1]} : vector<4x1x1xi32> to vector<1x1x1xi32>
      %squeeze3A_1269 = vector.shape_cast %slice3A_1268 : vector<1x1x1xi32> to vector<1x1xi32>
      %slice3A_1270 = vector.extract_strided_slice %broadcast_in_dim3A_1245 {offsets = [3, 0, 0], sizes = [1, 1, 1], strides = [1, 1, 1]} : vector<4x1x1xi32> to vector<1x1x1xi32>
      %squeeze3A_1271 = vector.shape_cast %slice3A_1270 : vector<1x1x1xi32> to vector<1x1xi32>
      %concatenate3A_1272 = tpu.concatenate %squeeze3A_1265, %squeeze3A_1267, %squeeze3A_1269, %squeeze3A_1271 in 1 : vector<1x1xi32>, vector<1x1xi32>, vector<1x1xi32>, vector<1x1xi32> -> vector<1x4xi32>
      %swap3A_1273 = arith.index_cast %add3A_1237 : i32 to index
      %swap3A_1274 = arith.constant 0 : index
      %swap3A_1275 = vector.load %arg4[%swap3A_1273, %swap3A_1274] : memref<2048x4xi32, #tpu.memory_space<vmem>>, vector<1x4xi32>
      tpu.vector_store %arg4[%swap3A_1273, %swap3A_1274], %concatenate3A_1272 {strides = array<i32>} : memref<2048x4xi32, #tpu.memory_space<vmem>>, vector<1x4xi32>,
      %shift_right_arithmetic3A_1276 = arith.constant 14 : i32
      %shift_right_arithmetic3A_1277 = vector.broadcast %shift_right_arithmetic3A_1276 : i32 to vector<4x1x1xi32>
      %shift_right_arithmetic3A_1278 = arith.shrsi %broadcast_in_dim3A_1245, %shift_right_arithmetic3A_1277 : vector<4x1x1xi32>
      %shift_right_arithmetic3A_1279 = arith.constant 7 : i32
      %shift_right_arithmetic3A_1280 = vector.broadcast %shift_right_arithmetic3A_1279 : i32 to vector<4x1x1xi32>
      %shift_right_arithmetic3A_1281 = arith.shrsi %broadcast_in_dim3A_1245, %shift_right_arithmetic3A_1280 : vector<4x1x1xi32>
      %and3A_1282 = arith.constant 127 : i32
      %and3A_1283 = vector.broadcast %and3A_1282 : i32 to vector<4x1x1xi32>
      %and3A_1284 = arith.andi %shift_right_arithmetic3A_1281, %and3A_1283 : vector<4x1x1xi32>
      %and3A_1285 = arith.constant 127 : i32
      %and3A_1286 = vector.broadcast %and3A_1285 : i32 to vector<4x1x1xi32>
      %and3A_1287 = arith.andi %broadcast_in_dim3A_1245, %and3A_1286 : vector<4x1x1xi32>
      %mul3A_1288 = arith.muli %shift_right_arithmetic3A_1278, %shift_right_arithmetic3A_1278 : vector<4x1x1xi32>
      %mul3A_1289 = arith.muli %and3A_1284, %and3A_1284 : vector<4x1x1xi32>
      %add3A_1290 = arith.addi %mul3A_1288, %mul3A_1289 : vector<4x1x1xi32>
      %mul3A_1291 = arith.muli %and3A_1287, %and3A_1287 : vector<4x1x1xi32>
      %add3A_1292 = arith.addi %add3A_1290, %mul3A_1291 : vector<4x1x1xi32>
      %mul3A_1293 = vector.broadcast %shift_right_arithmetic3A_1278 : vector<4x1x1xi32> to vector<4x64x128xi32>
      %mul3A_1294 = arith.muli %get3A_2, %mul3A_1293 : vector<4x64x128xi32>
      %mul3A_1295 = vector.broadcast %and3A_1284 : vector<4x1x1xi32> to vector<4x64x128xi32>
      %mul3A_1296 = arith.muli %get3A_6, %mul3A_1295 : vector<4x64x128xi32>
      %add3A_1297 = arith.addi %mul3A_1294, %mul3A_1296 : vector<4x64x128xi32>
      %mul3A_1298 = vector.broadcast %and3A_1287 : vector<4x1x1xi32> to vector<4x64x128xi32>
      %mul3A_1299 = arith.muli %get3A_10, %mul3A_1298 : vector<4x64x128xi32>
      %add3A_1300 = arith.addi %add3A_1297, %mul3A_1299 : vector<4x64x128xi32>
      %mul3A_1301 = arith.constant 8192 : i32
      %mul3A_1302 = vector.broadcast %mul3A_1301 : i32 to vector<4x1x1xi32>
      %mul3A_1303 = arith.muli %add3A_1292, %mul3A_1302 : vector<4x1x1xi32>
      %add3A_1304 = vector.broadcast %mul3A_1303 : vector<4x1x1xi32> to vector<4x64x128xi32>
      %add3A_1305 = arith.addi %add3A_24, %add3A_1304 : vector<4x64x128xi32>
      %mul3A_1306 = arith.constant 16384 : i32
      %mul3A_1307 = vector.broadcast %mul3A_1306 : i32 to vector<4x64x128xi32>
      %mul3A_1308 = arith.muli %add3A_1300, %mul3A_1307 : vector<4x64x128xi32>
      %sub3A_1309 = arith.subi %add3A_1305, %mul3A_1308 : vector<4x64x128xi32>
      %min3A_1310 = arith.minsi %min3A_1230, %sub3A_1309 : vector<4x64x128xi32>
      %reduce_max3A_1311 = arith.constant dense<-2147483648> : vector<4xi32>
      %reduce_max3A_1312 = vector.multi_reduction <maxsi>, %min3A_1310, %reduce_max3A_1311 [1, 2] : vector<4x64x128xi32> to vector<4xi32>
      %broadcast_in_dim3A_1313 = vector.shape_cast %reduce_max3A_1312 : vector<4xi32> to vector<4x1x1xi32>
      scf.yield %min3A_1310, %broadcast_in_dim3A_1313 : vector<4x64x128xi32>, vector<4x1x1xi32>
    }
    %scan3A_41 = arith.constant 128 : i32
    return
  }
}

module attributes {stable_mosaic.version = 14 : i64} {
  func.func @_linear_body(%arg0: i32, %arg1: memref<2048x128xf32, #tpu.memory_space<vmem>>, %arg2: memref<2048x4xf32, #tpu.memory_space<vmem>>, %arg3: memref<2048x4xf32, #tpu.memory_space<vmem>>, %arg4: memref<2048x4xf32, #tpu.memory_space<vmem>>, %arg5: memref<8x256xf32, #tpu.memory_space<vmem>>, %arg6: memref<128x256xf32, #tpu.memory_space<vmem>>, %arg7: memref<2048x4xf32, #tpu.memory_space<vmem>>, %arg8: memref<2048x256xf32, #tpu.memory_space<vmem>>) attributes {dimension_semantics = [#tpu.dimension_semantics<arbitrary>], iteration_bounds = array<i64: 4>, scalar_prefetch = 0 : i64, scratch_operands = 0 : i64, tpu.core_type = #tpu.core_type<tc>, window_params = [{transform_indices = @transform_0, window_bounds = array<i64: 2048, 128>}, {pipeline_mode = #tpu.pipeline_mode<synchronous>, transform_indices = @transform_1, window_bounds = array<i64: 2048, 4>}, {pipeline_mode = #tpu.pipeline_mode<synchronous>, transform_indices = @transform_2, window_bounds = array<i64: 2048, 4>}, {pipeline_mode = #tpu.pipeline_mode<synchronous>, transform_indices = @transform_3, window_bounds = array<i64: 2048, 4>}, {pipeline_mode = #tpu.pipeline_mode<synchronous>, transform_indices = @transform_4, window_bounds = array<i64: 8, 256>}, {pipeline_mode = #tpu.pipeline_mode<synchronous>, transform_indices = @transform_5, window_bounds = array<i64: 128, 256>}, {transform_indices = @transform_6, window_bounds = array<i64: 2048, 4>}, {transform_indices = @transform_7, window_bounds = array<i64: 2048, 256>}]} {
    %get3A = arith.constant 0 : index
    %get3A_0 = arith.constant 0 : index
    %get3A_1 = vector.load %arg2[%get3A, %get3A_0] : memref<2048x4xf32, #tpu.memory_space<vmem>>, vector<2048x4xf32>
    %get3A_2 = arith.constant 0 : index
    %get3A_3 = arith.constant 0 : index
    %get3A_4 = vector.load %arg3[%get3A_2, %get3A_3] : memref<2048x4xf32, #tpu.memory_space<vmem>>, vector<2048x4xf32>
    %get3A_5 = arith.constant 0 : index
    %get3A_6 = arith.constant 0 : index
    %get3A_7 = vector.load %arg4[%get3A_5, %get3A_6] : memref<2048x4xf32, #tpu.memory_space<vmem>>, vector<2048x4xf32>
    %reduce_sum3A = vector.shape_cast %get3A_1 : vector<2048x4xf32> to vector<1x2048x4xf32>
    %reduce_sum3A_8 = arith.constant dense<0.000000e+00> : vector<1xf32>
    %reduce_sum3A_9 = vector.multi_reduction <add>, %reduce_sum3A, %reduce_sum3A_8 [1, 2] : vector<1x2048x4xf32> to vector<1xf32>
    %reduce_sum3A_10 = vector.shape_cast %reduce_sum3A_9 : vector<1xf32> to vector<1x1x1xf32>
    %reduce_sum3A_11 = vector.extract %reduce_sum3A_10[0, 0, 0] : f32 from vector<1x1x1xf32>
    %reduce_sum3A_12 = vector.shape_cast %get3A_4 : vector<2048x4xf32> to vector<1x2048x4xf32>
    %reduce_sum3A_13 = arith.constant dense<0.000000e+00> : vector<1xf32>
    %reduce_sum3A_14 = vector.multi_reduction <add>, %reduce_sum3A_12, %reduce_sum3A_13 [1, 2] : vector<1x2048x4xf32> to vector<1xf32>
    %reduce_sum3A_15 = vector.shape_cast %reduce_sum3A_14 : vector<1xf32> to vector<1x1x1xf32>
    %reduce_sum3A_16 = vector.extract %reduce_sum3A_15[0, 0, 0] : f32 from vector<1x1x1xf32>
    %add3A = arith.addf %reduce_sum3A_11, %reduce_sum3A_16 : f32
    %reduce_sum3A_17 = vector.shape_cast %get3A_7 : vector<2048x4xf32> to vector<1x2048x4xf32>
    %reduce_sum3A_18 = arith.constant dense<0.000000e+00> : vector<1xf32>
    %reduce_sum3A_19 = vector.multi_reduction <add>, %reduce_sum3A_17, %reduce_sum3A_18 [1, 2] : vector<1x2048x4xf32> to vector<1xf32>
    %reduce_sum3A_20 = vector.shape_cast %reduce_sum3A_19 : vector<1xf32> to vector<1x1x1xf32>
    %reduce_sum3A_21 = vector.extract %reduce_sum3A_20[0, 0, 0] : f32 from vector<1x1x1xf32>
    %add3A_22 = arith.addf %add3A, %reduce_sum3A_21 : f32
    %div3A = arith.constant 2.457600e+04 : f32
    %div3A_23 = arith.divf %add3A_22, %div3A : f32
    %iota3A = tpu.iota {dimensions = array<i32: 1>} : vector<2048x4xi32>
    %eq3A = vector.broadcast %arg0 : i32 to vector<2048x4xi32>
    %eq3A_24 = arith.cmpi eq, %iota3A, %eq3A : vector<2048x4xi32>
    %jit3A = arith.constant 0.000000e+00 : f32
    %broadcast_in_dim3A = vector.broadcast %jit3A : f32 to vector<2048x4xf32>
    %select_n3A = arith.select %eq3A_24, %get3A_1, %broadcast_in_dim3A : vector<2048x4xi1>, vector<2048x4xf32>
    %reduce_sum3A_25 = arith.constant dense<0.000000e+00> : vector<2048xf32>
    %reduce_sum3A_26 = vector.multi_reduction <add>, %select_n3A, %reduce_sum3A_25 [1] : vector<2048x4xf32> to vector<2048xf32>
    %broadcast_in_dim3A_27 = vector.shape_cast %reduce_sum3A_26 : vector<2048xf32> to vector<2048x1xf32>
    %jit3A_28 = arith.constant 0.000000e+00 : f32
    %broadcast_in_dim3A_29 = vector.broadcast %jit3A_28 : f32 to vector<2048x4xf32>
    %select_n3A_30 = arith.select %eq3A_24, %get3A_4, %broadcast_in_dim3A_29 : vector<2048x4xi1>, vector<2048x4xf32>
    %reduce_sum3A_31 = arith.constant dense<0.000000e+00> : vector<2048xf32>
    %reduce_sum3A_32 = vector.multi_reduction <add>, %select_n3A_30, %reduce_sum3A_31 [1] : vector<2048x4xf32> to vector<2048xf32>
    %broadcast_in_dim3A_33 = vector.shape_cast %reduce_sum3A_32 : vector<2048xf32> to vector<2048x1xf32>
    %jit3A_34 = arith.constant 0.000000e+00 : f32
    %broadcast_in_dim3A_35 = vector.broadcast %jit3A_34 : f32 to vector<2048x4xf32>
    %select_n3A_36 = arith.select %eq3A_24, %get3A_7, %broadcast_in_dim3A_35 : vector<2048x4xi1>, vector<2048x4xf32>
    %reduce_sum3A_37 = arith.constant dense<0.000000e+00> : vector<2048xf32>
    %reduce_sum3A_38 = vector.multi_reduction <add>, %select_n3A_36, %reduce_sum3A_37 [1] : vector<2048x4xf32> to vector<2048xf32>
    %broadcast_in_dim3A_39 = vector.shape_cast %reduce_sum3A_38 : vector<2048xf32> to vector<2048x1xf32>
    %broadcast_in_dim3A_40 = arith.constant 1.000000e+00 : f32
    %broadcast_in_dim3A_41 = vector.broadcast %broadcast_in_dim3A_40 : f32 to vector<2048x1xf32>
    %convert_element_type3A = arith.sitofp %arg0 : i32 to f32
    %mul3A = vector.broadcast %convert_element_type3A : f32 to vector<2048x1xf32>
    %mul3A_42 = arith.mulf %broadcast_in_dim3A_41, %mul3A : vector<2048x1xf32>
    %concatenate3A = tpu.concatenate %mul3A_42, %broadcast_in_dim3A_27, %broadcast_in_dim3A_33, %broadcast_in_dim3A_39 in 1 : vector<2048x1xf32>, vector<2048x1xf32>, vector<2048x1xf32>, vector<2048x1xf32> -> vector<2048x4xf32>
    %swap3A = arith.constant 0 : index
    %swap3A_43 = arith.constant 0 : index
    %swap3A_44 = vector.load %arg7[%swap3A, %swap3A_43] : memref<2048x4xf32, #tpu.memory_space<vmem>>, vector<2048x4xf32>
    tpu.vector_store %arg7[%swap3A, %swap3A_43], %concatenate3A {strides = array<i32>} : memref<2048x4xf32, #tpu.memory_space<vmem>>, vector<2048x4xf32>,
    %get3A_45 = arith.constant 0 : index
    %get3A_46 = arith.constant 0 : index
    %get3A_47 = vector.load %arg1[%get3A_45, %get3A_46] : memref<2048x128xf32, #tpu.memory_space<vmem>>, vector<2048x128xf32>
    %get3A_48 = arith.constant 0 : index
    %get3A_49 = arith.constant 0 : index
    %get3A_50 = vector.load %arg6[%get3A_48, %get3A_49] : memref<128x256xf32, #tpu.memory_space<vmem>>, vector<128x256xf32>
    %dot_general3A = arith.constant dense<0.000000e+00> : vector<2048x256xf32>
    %dot_general3A_51 = tpu.matmul %get3A_47, %get3A_50, %dot_general3A {dimension_numbers = #tpu.dot_dimension_numbers<[1], [0], [0], [1], [0, 0, 1, 1], [], []>, transpose_lhs_hint = false} : vector<2048x128xf32>, vector<128x256xf32>, vector<2048x256xf32> -> vector<2048x256xf32>
    %div3A_52 = vector.broadcast %div3A_23 : f32 to vector<2048x1xf32>
    %div3A_53 = arith.divf %broadcast_in_dim3A_27, %div3A_52 : vector<2048x1xf32>
    %get3A_54 = arith.constant 0 : index
    %get3A_55 = arith.constant 0 : index
    %get3A_56 = vector.load %arg5[%get3A_54, %get3A_55] : memref<8x256xf32, #tpu.memory_space<vmem>>, vector<1x256xf32>
    %mul3A_57 = vector.broadcast %div3A_53 : vector<2048x1xf32> to vector<2048x256xf32>
    %mul3A_58 = vector.broadcast %get3A_56 : vector<1x256xf32> to vector<2048x256xf32>
    %mul3A_59 = arith.mulf %mul3A_57, %mul3A_58 : vector<2048x256xf32>
    %add3A_60 = arith.addf %dot_general3A_51, %mul3A_59 : vector<2048x256xf32>
    %div3A_61 = vector.broadcast %div3A_23 : f32 to vector<2048x1xf32>
    %div3A_62 = arith.divf %broadcast_in_dim3A_33, %div3A_61 : vector<2048x1xf32>
    %get3A_63 = arith.constant 1 : index
    %get3A_64 = arith.constant 0 : index
    %get3A_65 = vector.load %arg5[%get3A_63, %get3A_64] : memref<8x256xf32, #tpu.memory_space<vmem>>, vector<1x256xf32>
    %mul3A_66 = vector.broadcast %div3A_62 : vector<2048x1xf32> to vector<2048x256xf32>
    %mul3A_67 = vector.broadcast %get3A_65 : vector<1x256xf32> to vector<2048x256xf32>
    %mul3A_68 = arith.mulf %mul3A_66, %mul3A_67 : vector<2048x256xf32>
    %add3A_69 = arith.addf %add3A_60, %mul3A_68 : vector<2048x256xf32>
    %div3A_70 = vector.broadcast %div3A_23 : f32 to vector<2048x1xf32>
    %div3A_71 = arith.divf %broadcast_in_dim3A_39, %div3A_70 : vector<2048x1xf32>
    %get3A_72 = arith.constant 2 : index
    %get3A_73 = arith.constant 0 : index
    %get3A_74 = vector.load %arg5[%get3A_72, %get3A_73] : memref<8x256xf32, #tpu.memory_space<vmem>>, vector<1x256xf32>
    %mul3A_75 = vector.broadcast %div3A_71 : vector<2048x1xf32> to vector<2048x256xf32>
    %mul3A_76 = vector.broadcast %get3A_74 : vector<1x256xf32> to vector<2048x256xf32>
    %mul3A_77 = arith.mulf %mul3A_75, %mul3A_76 : vector<2048x256xf32>
    %add3A_78 = arith.addf %add3A_69, %mul3A_77 : vector<2048x256xf32>
    %get3A_79 = arith.constant 3 : index
    %get3A_80 = arith.constant 0 : index
    %get3A_81 = vector.load %arg5[%get3A_79, %get3A_80] : memref<8x256xf32, #tpu.memory_space<vmem>>, vector<1x256xf32>
    %add3A_82 = vector.broadcast %get3A_81 : vector<1x256xf32> to vector<2048x256xf32>
    %add3A_83 = arith.addf %add3A_78, %add3A_82 : vector<2048x256xf32>
    %max3A = arith.constant 0.000000e+00 : f32
    %max3A_84 = vector.broadcast %max3A : f32 to vector<2048x256xf32>
    %max3A_85 = arith.maximumf %add3A_83, %max3A_84 : vector<2048x256xf32>
    %swap3A_86 = arith.constant 0 : index
    %swap3A_87 = arith.constant 0 : index
    %swap3A_88 = vector.load %arg8[%swap3A_86, %swap3A_87] : memref<2048x256xf32, #tpu.memory_space<vmem>>, vector<2048x256xf32>
    tpu.vector_store %arg8[%swap3A_86, %swap3A_87], %max3A_85 {strides = array<i32>} : memref<2048x256xf32, #tpu.memory_space<vmem>>, vector<2048x256xf32>,
    return
  }
  func.func @transform_0(%arg0: i32) -> (i32, i32) {
    %c0_i32 = arith.constant 0 : i32
    %c0_i32_0 = arith.constant 0 : i32
    return %arg0, %c0_i32 : i32, i32
  }
  func.func @transform_1(%arg0: i32) -> (i32, i32) {
    %c0_i32 = arith.constant 0 : i32
    %c0_i32_0 = arith.constant 0 : i32
    %c0_i32_1 = arith.constant 0 : i32
    return %c0_i32, %c0_i32_0 : i32, i32
  }
  func.func @transform_2(%arg0: i32) -> (i32, i32) {
    %c0_i32 = arith.constant 0 : i32
    %c0_i32_0 = arith.constant 0 : i32
    %c0_i32_1 = arith.constant 0 : i32
    return %c0_i32, %c0_i32_0 : i32, i32
  }
  func.func @transform_3(%arg0: i32) -> (i32, i32) {
    %c0_i32 = arith.constant 0 : i32
    %c0_i32_0 = arith.constant 0 : i32
    %c0_i32_1 = arith.constant 0 : i32
    return %c0_i32, %c0_i32_0 : i32, i32
  }
  func.func @transform_4(%arg0: i32) -> (i32, i32) {
    %c0_i32 = arith.constant 0 : i32
    %c0_i32_0 = arith.constant 0 : i32
    %c0_i32_1 = arith.constant 0 : i32
    return %c0_i32, %c0_i32_0 : i32, i32
  }
  func.func @transform_5(%arg0: i32) -> (i32, i32) {
    %c0_i32 = arith.constant 0 : i32
    %c0_i32_0 = arith.constant 0 : i32
    %c0_i32_1 = arith.constant 0 : i32
    return %c0_i32, %c0_i32_0 : i32, i32
  }
  func.func @transform_6(%arg0: i32) -> (i32, i32) {
    %c0_i32 = arith.constant 0 : i32
    %c0_i32_0 = arith.constant 0 : i32
    return %arg0, %c0_i32 : i32, i32
  }
  func.func @transform_7(%arg0: i32) -> (i32, i32) {
    %c0_i32 = arith.constant 0 : i32
    %c0_i32_0 = arith.constant 0 : i32
    return %arg0, %c0_i32 : i32, i32
  }
}

</mosaic_0001>

<sc_bundles>
// kernel: kernel.5.cloned.1.call-start
scs
__scs_entry_jumppad:
0x0: {  	(pc) =	sbr.rel $0x88, $3  }
0x1: {  	(tag) =	ssettag $0x0;
	lr =	simm.s32 $0x1  }
0x2: {  	[smem:$0x3F9D] =	sst lr;
	_ =	strace $0xD0000000  }
0x3: {  	_ = 	snop  }
0x4: {  	_ = 	snop  }
0x5: {  	_ = 	snop  }
0x6: {  	_ = 	snop  }
0x7: {  	_ = 	snop  }
__scs_overlays_trampoline_lowered:
0x8: {  	[smem:$0x3FAC] =	sst s0  }
0x9: {  	[smem:$0x3FAD] =	sst s1  }
0xa: {  	[smem:$0x3FAE] =	sst s2  }
0xb: {  	[smem:$0x3FAF] =	sst s3  }
0xc: {  	[smem:$0x3FB0] =	sst s4  }
0xd: {  	[smem:$0x3FB1] =	sst s5  }
0xe: {  	[smem:$0x3FB2] =	sst s6  }
0xf: {  	[smem:$0x3FB3] =	sst s7  }
0x10: {  	[smem:$0x3FB4] =	sst s8  }
0x11: {  	[smem:$0x3FB5] =	sst s9;
	s0 =	simm.s32 @!p0 $0x0  }
0x12: {  	s1 =	sld [smem:$0x3F9B];
	s0 =	simm.s32 @p0 $0x1  }
0x13: {  	[smem:$0x3FB6] =	sst s0;
	s0 =	simm.s32 @!p1 $0x0  }
0x14: {  	s2 =	sld [smem:$0x3F9A];
	s0 =	simm.s32 @p1 $0x1  }
0x15: {  	[smem:$0x3FB7] =	sst s0;
	s0 =	simm.s32 @!p2 $0x0  }
0x16: {  	s3 =	sld [smem:$0x3FDB];
	s0 =	simm.s32 @p2 $0x1  }
0x17: {  	s4 =	simm.s32 $0x1BF5;
	[smem:$0x3FB9] =	sst s0  }
0x18: {  	s0 =	sld [smem:$0x3F9C];
	_ =	swait.ge [sflag:s4], $0x0  }
0x19: {  	s7 =	sld [smem:$0x3F9D]  }
0x1a: {  	s8 =	sadd.s32 $0xFFFFE003, lr  }
0x1b: {  	s9 =	sadd.s32 $0xFFFFFEF7, lr;
	s5 =	simm.s32 $0xFFFFFFFF;
	p2 =	slt.u32 s8, $0xFFFFF086  }
0x1c: {  	p1 =	slt.u32 s9, $0xF7A;
	s5 =	simm.s32 @!p2 $0x0  }
0x1d: {  	s5 =	simm.s32 @p1 $0x1;
	p0 =	seq.s32 s7, s2  }
0x1e: {  	s7 =	smul.u32 @!p0 $0xF7A, s2;
	p2 =	seq.s32 @!p0 s5, $0x0  }
0x1f: {  	s9 =	smul.u32 $0xF7A, s1;
	s8 =	simm.s32 @!p0 $0x1BF5;
	p2 =	por !p2, p0  }
0x20: {  	[sflag:s8] =	ssyncset.s32 @!p0 $0xFFFFF086;
	s6 =	sadd.s32 @!p0 s3, s7;
	s7 =	simm.s32 @!p0 $0x108  }
0x21: {  	s3 =	sadd.s32 s3, s9;
	s6 =	sadd.s32 @!p0 $0x88, s6;
	s7 =	simm.s32 @p2 $0x1082  }
0x22: {  	[simem:s7], [sflag:s8] =	dma.local @!p0 [hbm:s6], $0xF7A  }
0x23: {  	s9 =	sor.u32 $0xD0000000, s2;
	s6 =	simm.s32 $0x108;
	_ =	swait.ge @!p0 [sflag:s8], $0x0  }
0x24: {  	s3 =	sadd.s32 $0x88, s3;
	s6 =	simm.s32 @!p1 $0x1082;
	[sflag:s4] =	ssyncset.s32 $0xFFFFF086  }
0x25: {  	[simem:s6], [sflag:s4] =	dma.local [hbm:s3], $0xF7A  }
0x26: {  	[smem:$0x3F9D] =	sst s1;
	(tag) =	ssettag s2;
	_ =	strace s9  }
0x27: {  	s1 =	sld [smem:$0x3FAD]  }
0x28: {  	s2 =	sld [smem:$0x3FAE]  }
0x29: {  	s4 =	sld [smem:$0x3FB0]  }
0x2a: {  	p0 =	seq.s32 s5, $0x0;
	s5 =	sld [smem:$0x3FB1]  }
0x2b: {  	s6 =	sld [smem:$0x3FB2]  }
0x2c: {  	s7 =	sld [smem:$0x3FB3]  }
0x2d: {  	s3 =	simm.s32 $0x108;
	s8 =	sld [smem:$0x3FB4]  }
0x2e: {  	s3 =	simm.s32 @!p0 $0x1082;
	s9 =	sld [smem:$0x3FB5]  }
0x2f: {  	lr =	sadd.s32 s0, s3;
	s0 =	sld [smem:$0x3FAC]  }
0x30: {  	s3 =	sld [smem:$0x3FAF]  }
0x31: {  	[smem:$0x3FB8] =	sst s10  }
0x32: {  	s10 =	sld [smem:$0x3FB6];
	_ =	sdelay $0x3  }
0x33: {  	p0 =	seq.s32 s10, $0x1;
	s10 =	sld [smem:$0x3FB8];
	_ =	sdelay $0x3  }
0x34: {  	[smem:$0x3FB8] =	sst s10  }
0x35: {  	s10 =	sld [smem:$0x3FB7];
	_ =	sdelay $0x3  }
0x36: {  	p1 =	seq.s32 s10, $0x1;
	s10 =	sld [smem:$0x3FB8];
	_ =	sdelay $0x3  }
0x37: {  	[smem:$0x3FB8] =	sst s10  }
0x38: {  	s10 =	sld [smem:$0x3FB9]  }
0x39: {  	_ = 	snop;
	(pc) =	sbr.ind lr, $3  }
0x3a: {  	_ = 	snop  }
0x3b: {  	_ = 	snop  }
0x3c: {  	p2 =	seq.s32 s10, $0x1;
	s10 =	sld [smem:$0x3FB8]  }
0x3d: {  	_ =	shalt  }
0x3e: {  	_ =	shalt  }
0x3f: {  	_ =	shalt  }
0x40: {  	_ =	shalt  }
0x41: {  	_ =	shalt  }
0x42: {  	_ =	shalt  }
0x43: {  	_ =	shalt  }
0x44: {  	_ =	shalt  }
0x45: {  	_ =	shalt  }
0x46: {  	_ =	shalt  }
0x47: {  	_ =	shalt  }
0x48: {  	_ =	shalt  }
0x49: {  	_ =	shalt  }
0x4a: {  	_ =	shalt  }
0x4b: {  	_ =	shalt  }
0x4c: {  	_ =	shalt  }
0x4d: {  	_ =	shalt  }
0x4e: {  	_ =	shalt  }
0x4f: {  	_ =	shalt  }
0x50: {  	_ =	shalt  }
0x51: {  	_ =	shalt  }
0x52: {  	_ =	shalt  }
0x53: {  	_ =	shalt  }
0x54: {  	_ =	shalt  }
0x55: {  	_ =	shalt  }
0x56: {  	_ =	shalt  }
0x57: {  	_ =	shalt  }
0x58: {  	_ =	shalt  }
0x59: {  	_ =	shalt  }
0x5a: {  	_ =	shalt  }
0x5b: {  	_ =	shalt  }
0x5c: {  	_ =	shalt  }
0x5d: {  	_ =	shalt  }
0x5e: {  	_ =	shalt  }
0x5f: {  	_ =	shalt  }
0x60: {  	_ =	shalt  }
0x61: {  	_ =	shalt  }
0x62: {  	_ =	shalt  }
0x63: {  	_ =	shalt  }
0x64: {  	_ =	shalt  }
0x65: {  	_ =	shalt  }
0x66: {  	_ =	shalt  }
0x67: {  	_ =	shalt  }
0x68: {  	_ =	shalt  }
0x69: {  	_ =	shalt  }
0x6a: {  	_ =	shalt  }
0x6b: {  	_ =	shalt  }
0x6c: {  	_ =	shalt  }
0x6d: {  	_ =	shalt  }
0x6e: {  	_ =	shalt  }
0x6f: {  	_ =	shalt  }
0x70: {  	_ =	shalt  }
0x71: {  	_ =	shalt  }
0x72: {  	_ =	shalt  }
0x73: {  	_ =	shalt  }
0x74: {  	_ =	shalt  }
0x75: {  	_ =	shalt  }
0x76: {  	_ =	shalt  }
0x77: {  	_ =	shalt  }
0x78: {  	_ =	shalt  }
0x79: {  	_ =	shalt  }
0x7a: {  	_ =	shalt  }
0x7b: {  	_ =	shalt  }
0x7c: {  	_ =	shalt  }
0x7d: {  	_ =	shalt  }
0x7e: {  	_ =	shalt  }
0x7f: {  	_ =	shalt  }
0x80: {  	_ =	shalt  }
0x81: {  	_ =	shalt  }
0x82: {  	_ =	shalt  }
0x83: {  	_ =	shalt  }
0x84: {  	_ =	shalt  }
0x85: {  	_ =	shalt  }
0x86: {  	_ =	shalt  }
0x87: {  	_ =	shalt  }
.Lfunc_end0:
.L_simem_size_0:
called_computation_lowered:
.L_overlay_start_0:
0x88: {  	s2 =	sld [smem:$0x3FD9]  }
0x89: {  	s3 =	sld [smem:$0x3FFE];
	_ =	sdelay $0x1  }
0x8a: {  	s1 =	srdreg.scid  }
0x8b: {  	s0 =	sand.u32 $0x1, s1  }
0x8c: {  	s15 =	sshll.u32 s0, $0xA;
	s2 =	sadd.s32 s3, s2  }
0x8d: {  	s2 =	sadd.s32 s2, s15  }
0x8e: {  	[smem:$0x3FC4] =	sst s2  }
0x8f: {  	_ = 	snop  }
0x90: {  	s2 =	sld [smem:$0x3FD0];
	_ =	sdelay $0x2  }
0x91: {  	s4 =	simm.s32 $0xA;
	s5 =	simm.s32 $0x10;
	s16 =	sld [smem:$0x3FC8]  }
0x92: {  	[smem:s5], [sflag:s4] =	dma.local [hbm:s2], $0x1  }
0x93: {  	_ =	swait.eq [sflag:s4], $0x1  }
0x94: {  	[sflag:s4] =	ssyncset.done $0x0  }
0x95: {  	s17 =	sld [smem:$0x10];
	[sflag:s4] =	ssyncadd.s32 $0xFFFFFFFF  }
0x96: {  	s18 =	sld [smem:$0x11];
	(tm) =	ssettm $0x1  }
0x97: {  	s19 =	sld [smem:$0x3FFB];
	_ =	sdelay $0x3  }
0x98: {  	_ =	strace s19  }
0x99: {  	s5 =	sld [smem:$0x3FFC];
	_ =	sdelay $0x3  }
0x9a: {  	_ =	strace s5  }
0x9b: {  	s5 =	sld [smem:$0x3FFD];
	_ =	sdelay $0x3  }
0x9c: {  	_ =	strace s5  }
0x9d: {  	_ =	strace $0x8FFFFFFF  }
0x9e: {  	s20 =	sld [smem:$0x3FDB];
	_ =	sdelay $0x1  }
0x9f: {  	s6 =	simm.s32 $_scs_section_size  }
0xa0: {  	s7 =	simm.s32 $_size__tile_overlayer_lowered;
	s8 =	simm.s32 $_tile_overlayer_lowered  }
0xa1: {  	s23 =	simm.s32 $0x1BFF;
	s22 =	sshll.u32 s8, $0x1;
	s5 =	sadd.s32 s6, s20  }
0xa2: {  	s9 =	simm.s32 $0x0;
	s21 =	sshll.u32 s7, $0x1;
	s7 =	sadd.s32 s22, s5  }
0xa3: {  	[timem:s9], [sflag:s23] =	dma.local [hbm:s7], s21  }
0xa4: {  	_ =	swait.ge [sflag:s23], s21  }
0xa5: {  	s6 =	ssub.s32 $0x0, s21;
	[sflag:s23] =	ssyncset.done $0x0  }
0xa6: {  	[sflag:s23] =	ssyncadd.s32 s6;
	_ =	sdelay $0x1  }
0xa7: {  	s24 =	simm.s32 $0x1B8B  }
0xa8: {  	_ =	swait.ge [sflag:s24], $0x1  }
0xa9: {  	[sflag:s24] =	ssyncset.done $0x0  }
0xaa: {  	s25 =	simm.s32 $0x1B8E;
	[sflag:s24] =	ssyncadd.s32 $0xFFFFFFFF  }
0xab: {  	s26 =	simm.s32 $execute0_lowered;
	[smem:$0x3FD2] =	sst s25  }
0xac: {  	s6 =	sshll.u32 s26, $0x1;
	_ =	strace $0x80000046;
	[dreg:$0x1] =	wrdreg $0xFFFFFFFF  }
0xad: {  	s28 =	simm.s32 $_size_execute0_lowered;
	s5 =	sadd.s32 s5, s6;
	[dreg:$0x0] =	wrdreg $0x0  }
0xae: {  	s6 =	sshll.u32 s28, $0x1;
	[dreg:$0x2] =	wrdreg s5  }
0xaf: {  	[dreg:$0x3] =	wrdreg s6  }
0xb0: {  	[dreg:$0x4] =	wrdreg $0xC0  }
0xb1: {  	_ =	task [dreg:s9], $0x5FFFF  }
0xb2: {  	[dreg:$0x1] =	wrdreg $0xFFFFFFFF  }
0xb3: {  	[dreg:$0x0] =	wrdreg $0x60  }
0xb4: {  	[dreg:$0x2] =	wrdreg s16  }
0xb5: {  	[dreg:$0x3] =	wrdreg s17  }
0xb6: {  	[dreg:$0x4] =	wrdreg s18  }
0xb7: {  	[dreg:$0x5] =	wrdreg $0x9  }
0xb8: {  	_ =	task.clear_ibuf [dreg:s9], $0x6FFFF;
	_ =	strace $0x90000046  }
0xb9: {  	s29 =	simm.s32 $0x9;
	_ =	strace $0x80000048  }
0xba: {  	_ =	swait.ge [sflag:s29], $0x1  }
0xbb: {  	[sflag:s29] =	ssyncadd.s32 $0xFFFFFFFF  }
0xbc: {  	_ =	strace $0x90000048  }
0xbd: {  	_ =	sfence  }
0xbe: {  	s30 =	sld [smem:$0x0];
	_ =	sdelay $0x2  }
0xbf: {  	s31 =	sshll.u32 s1, $0xD;
	s1 =	sshrl.u32 s1, $0x2  }
0xc0: {  	s3 =	sand.u32 $0x4000, s31;
	s1 =	sadd.s32 s1, s30  }
0xc1: {  	s0 =	sor.u32 s3, s0;
	s1 =	sshll.u32 s1, $0x11  }
0xc2: {  	s0 =	sor.u32 s1, s0  }
0xc3: {  	s0 =	sadd.s32 $0x8F2B, s0  }
0xc4: {  	[sflag:s0] =	ssyncadd.remote.s32 $0x1  }
0xc5: {  	_ =	sfence.sel $0xFFFF  }
0xc6: {  	[dreg:$0x0] =	wrdreg $0xFFFFFFFF;
	(pc) =	sbr.abs _section_cstart, $3  }
0xc7: {  	[dreg:$0x1] =	wrdreg $0xFFFFFFFF  }
0xc8: {  	_ =	task.clear_ibuf [dreg:s9], $0x2FFFF;
	_ =	strace $0x9FFFFFFF  }
0xc9: {  	(tm) =	ssettm $0x7FFFFFFF  }
tec
execute0_lowered:
.L_overlay_start_1:
0x0: {  	(tag) =	ssettag $0x1  }
0x1: {  	s1 =	rddreg [dreg:$0x0];
	s2 =	srdreg.scid  }
0x2: {  	s4 =	rddreg [dreg:$0x1];
	s0 =	stileid.u32;
	s11 =	sand.u32 $0x1, s2  }
0x3: {  	s12 =	rddreg [dreg:$0x2];
	s5 =	sshll.u32 s0, $0x9;
	s6 =	sshll.u32 s11, $0x8  }
0x4: {  	s3 =	simm.s32 $0x0;
	s2 =	rddreg [dreg:$0x3];
	s13 =	sor.u32 s6, s5  }
0x5: {  	[smem:$0x7FF] =	sst s3;
	s5 =	sshrl.u32 s13, $0x3  }
0x6: {  	_ =	strace $0x80000047;
	s5 =	sadd.s32 s4, s5;
	s4 =	simm.s32 $0x2  }
0x7: {  	[tilespmem:s3], [sflag:$0x2] =	stream.linear.gather [hbm4b:s5+s3], $0x80, $0x38;
	[tilespmem:$0x8100] =	vst v63  }
0x8: {  	_ =	swait.ge [sflag:s4], $0x80  }
0x9: {  	[sflag:s4] =	ssyncset.done $0x0  }
0xa: {  	s7 =	simm.s32 $0x80;
	s6 =	sadd.s32 $0x10, s5;
	[sflag:s4] =	ssyncadd.s32 $0xFFFFFF80  }
0xb: {  	[tilespmem:s7], [sflag:$0x2] =	stream.linear.gather [hbm4b:s6+s3], $0x80, $0x38;
	[tilespmem:$0x8100] =	vst v63  }
0xc: {  	_ =	swait.ge [sflag:s4], $0x80  }
0xd: {  	[sflag:s4] =	ssyncset.done $0x0  }
0xe: {  	s8 =	simm.s32 $0x100;
	[sflag:s4] =	ssyncadd.s32 $0xFFFFFF80  }
0xf: {  	[tilespmem:s8], [sflag:$0x1] =	stream.indirect.gather [hbm4b:s1+s7], $0x80, s3, s7, $0xb8;
	[tilespmem:$0x8100] =	vst v63  }
0x10: {  	s9 =	simm.s32 $0x4100;
	s10 =	simm.s32 $0x1;
	s11 =	ssub.s32 $0x2, s11  }
0x11: {  	[tilespmem:s9], [sflag:$0x1] =	stream.indirect.gather [hbm4b:s1+s7], $0x80, s7, s7, $0xb8;
	[tilespmem:$0x8100] =	vst v63  }
0x12: {  	s14 =	sshrl.u32 s11, $0x1;
	_ =	swait.ge [sflag:s10], $0x4000  }
0x13: {  	s14 =	ssub.s32 s11, s14;
	[sflag:s10] =	ssyncset.done $0x0  }
0x14: {  	s31 =	smax.u32 s14, $0x1;
	[sflag:s10] =	ssyncadd.s32 $0xFFFFC000  }
0x15: {  	p0 =	sne.s32 s31, $0x1;
	_ =	swait.ge [sflag:s10], $0x4000  }
.Ltmp0:
0x16: {  	s30 =	sshll.u32 s13, $0x4;
	[sflag:s10] =	ssyncset.done $0x0;
	(pc) =	sbr.rel @!p0 .LBB2_2-.Ltmp0, $4  }
0x17: {  	s11 =	sadd.s32 s12, s30;
	[sflag:s10] =	ssyncadd.s32 $0xFFFFC000  }
0x18: {  	[hbm4b:s11+s3] =	stream.linear.scatter [tilespmem:s8], [sflag:$0x2], $0x8000, $0x38;
	[tilespmem:$0x8100] =	vst v63  }
0x19: {  	_ =	swait.ge [sflag:s4], $0x8000  }
0x1a: {  	s12 =	sadd.s32 $0xFFFFFFFF, s31;
	[sflag:s4] =	ssyncset.done $0x0  }
.LBB2_1:
0x1b: {  	p0 =	sne.s32 s12, $0x1;
	s12 =	sadd.s32 $0xFFFFFFFF, s12;
	[sflag:s4] =	ssyncadd.s32 $0xFFFF8000  }
0x1c: {  	[tilespmem:s3], [sflag:$0x2] =	stream.linear.gather [hbm4b:s5+s3], $0x80, $0x38;
	[tilespmem:$0x8100] =	vst v63  }
0x1d: {  	_ =	swait.ge [sflag:s4], $0x80  }
0x1e: {  	[sflag:s4] =	ssyncset.done $0x0  }
0x1f: {  	[sflag:s4] =	ssyncadd.s32 $0xFFFFFF80  }
0x20: {  	[tilespmem:s7], [sflag:$0x2] =	stream.linear.gather [hbm4b:s6+s3], $0x80, $0x38;
	[tilespmem:$0x8100] =	vst v63  }
0x21: {  	_ =	swait.ge [sflag:s4], $0x80  }
0x22: {  	[sflag:s4] =	ssyncset.done $0x0  }
0x23: {  	[sflag:s4] =	ssyncadd.s32 $0xFFFFFF80  }
0x24: {  	[tilespmem:s8], [sflag:$0x1] =	stream.indirect.gather [hbm4b:s1+s7], $0x80, s3, s7, $0xb8;
	[tilespmem:$0x8100] =	vst v63  }
0x25: {  	_ = 	snop  }
0x26: {  	[tilespmem:s9], [sflag:$0x1] =	stream.indirect.gather [hbm4b:s1+s7], $0x80, s7, s7, $0xb8;
	[tilespmem:$0x8100] =	vst v63  }
0x27: {  	_ =	swait.ge [sflag:s10], $0x4000  }
0x28: {  	[sflag:s10] =	ssyncset.done $0x0  }
0x29: {  	[sflag:s10] =	ssyncadd.s32 $0xFFFFC000  }
0x2a: {  	_ =	swait.ge [sflag:s10], $0x4000  }
.Ltmp1:
0x2b: {  	[sflag:s10] =	ssyncset.done $0x0;
	(pc) =	sbr.rel @p0 .LBB2_1-.Ltmp1, $4  }
0x2c: {  	[sflag:s10] =	ssyncadd.s32 $0xFFFFC000  }
0x2d: {  	[hbm4b:s11+s3] =	stream.linear.scatter [tilespmem:s8], [sflag:$0x2], $0x8000, $0x38;
	[tilespmem:$0x8100] =	vst v63  }
0x2e: {  	_ =	swait.ge [sflag:s4], $0x8000  }
0x2f: {  	[sflag:s4] =	ssyncset.done $0x0  }
.LBB2_2:
0x30: {  	[sflag:s4] =	ssyncadd.s32 $0xFFFF8000  }
0x31: {  	_ =	sfence.sel $0x180000  }
0x32: {  	[bflag:$0x0] =	sbarrier.arrive $0xFFFF  }
0x33: {  	p0 =	sne.s32 s0, $0x0;
	_ =	strace $0x90000047  }
0x34: {  	s0 =	sadd.s32 @!p0 $0x100000, s2;
	[bflag:$0x2] =	sbarrier.arrive $0xFFFF  }
0x35: {  	[sflag:s0] =	ssyncadd.tile.s32 @!p0 $0x1;
	_ =	shalt  }
.Lfunc_end2:
_tile_overlayer_lowered:
.L_overlay_start_2:
0x36: {  	(tag) =	ssettag $0x2  }
0x37: {  	s0 =	rddreg [dreg:$0x0];
	s2 =	stileid.u32  }
0x38: {  	s1 =	rddreg [dreg:$0x1];
	p0 =	sne.s32 s2, $0x0  }
0x39: {  	s3 =	rddreg [dreg:$0x2];
	[bflag:$0x3] =	sbarrier.arrive $0xFFFF;
	s2 =	simm.s32 @!p0 $0x1C02  }
0x3a: {  	[timem:s3], [sflag:s2] =	dma.local @!p0 [hbm:s0], s1  }
0x3b: {  	s0 =	simm.s32 @!p0 $0x2  }
0x3c: {  	_ =	swait.ge @!p0 [sflag:s0], s1  }
0x3d: {  	s1 =	ssub.s32 @!p0 $0x0, s1;
	[sflag:s0] =	ssyncset.done @!p0 $0x0  }
0x3e: {  	[sflag:s0] =	ssyncadd.s32 @!p0 s1  }
0x3f: {  	[bflag:$0x3] =	sbarrier.arrive $0xFFFF  }
0x40: {  	_ =	shalt  }

</sc_bundles>
